<compile_context>
chip_gen: v7x
topology: tpu7x:2x2x1
jax: 0.10.2.dev20260603
libtpu: 0.0.44.dev20260713+nightly
codegen_flags: <defaults>
</compile_context>

<pallas_src>
import functools

import jax
import jax.numpy as jnp
from jax import lax
from jax.experimental import pallas as pl
from jax.experimental.pallas import tpu as pltpu
from jax.experimental.pallas import tpu_sc as plsc

D = 64
B = 4096
L = 200
NC, NS = 2, 16
NW = NC * NS
BPW = B // NW
IPW = BPW * L
G0, G1 = 128, 72
NLANE = 16
ND = D // NLANE


def _sc_pooled_sum(seq_flat, table):
    mesh = plsc.VectorSubcoreMesh(
        core_axis_name="c", subcore_axis_name="s",
        num_cores=NC, num_subcores=NS)

    nbuf = 4

    @functools.partial(
        pl.kernel,
        out_type=jax.ShapeDtypeStruct((B, D), jnp.float32),
        mesh=mesh,
        compiler_params=pltpu.CompilerParams(use_tc_tiling_on_sc=False),
        scratch_types=[
            pltpu.VMEM((IPW,), jnp.int32),
            [pltpu.VMEM((L, D), jnp.float32) for _ in range(nbuf)],
            pltpu.VMEM((BPW, D), jnp.float32),
            [pltpu.SemaphoreType.DMA for _ in range(nbuf)],
        ],
    )
    def k(seq_hbm, table_hbm, out_hbm, idx_v, rows_bufs, out_v, sems):
        wid = lax.axis_index("s") * NC + lax.axis_index("c")
        base = pl.multiple_of(wid * IPW, 8)
        pltpu.sync_copy(seq_hbm.at[pl.ds(base, IPW)], idx_v)

        def issue(p, b):
            off = pl.multiple_of(b * L, 8)
            pltpu.async_copy(
                table_hbm.at[idx_v.at[pl.ds(off, G0)]],
                rows_bufs[p].at[pl.ds(0, G0), :], sems[p])
            pltpu.async_copy(
                table_hbm.at[idx_v.at[pl.ds(off + G0, G1)]],
                rows_bufs[p].at[pl.ds(G0, G1), :], sems[p])

        def drain(p):
            pltpu.make_async_copy(
                table_hbm.at[idx_v.at[pl.ds(0, G0)]],
                rows_bufs[p].at[pl.ds(0, G0), :], sems[p]).wait()
            pltpu.make_async_copy(
                table_hbm.at[idx_v.at[pl.ds(0, G1)]],
                rows_bufs[p].at[pl.ds(G0, G1), :], sems[p]).wait()

        def reduce_into(p, b):
            rows_v = rows_bufs[p]

            def acc_body(j, accs):
                return tuple(accs[d] + rows_v[j, pl.ds(d * NLANE, NLANE)]
                             for d in range(ND))

            accs = tuple(jnp.zeros((NLANE,), jnp.float32) for _ in range(ND))
            accs = lax.fori_loop(0, L, acc_body, accs, unroll=8)
            for d in range(ND):
                out_v[b, pl.ds(d * NLANE, NLANE)] = accs[d]

        for p in range(nbuf):
            issue(p, p)

        def group_body(g, carry):
            for p in range(nbuf):
                b = g * nbuf + p
                drain(p)

                @pl.when(b + nbuf < BPW)
                def _():
                    issue(p, b + nbuf)

                reduce_into(p, b)
            return carry

        lax.fori_loop(0, BPW // nbuf, group_body, 0)
        rbase = pl.multiple_of(wid * BPW, 8)
        pltpu.sync_copy(out_v, out_hbm.at[pl.ds(rbase, BPW), :])

    return k(seq_flat, table)


def _tc_finalize(seq, sums, t0):
    bb = 256

    def body(seq_ref, sum_ref, t0_ref, out_ref):
        n0 = jnp.sum((seq_ref[...] == 0).astype(jnp.float32),
                     axis=1, keepdims=True)
        pooled = (sum_ref[...] - n0 * t0_ref[...]) / (jnp.float32(L) - n0 + 1e-9)
        nrm = jnp.sqrt(jnp.sum(pooled * pooled, axis=1, keepdims=True))
        out_ref[...] = pooled / jnp.maximum(nrm, 1e-12)

    return pl.pallas_call(
        body,
        grid=(B // bb,),
        in_specs=[
            pl.BlockSpec((bb, L), lambda i: (i, 0)),
            pl.BlockSpec((bb, D), lambda i: (i, 0)),
            pl.BlockSpec((1, D), lambda i: (0, 0)),
        ],
        out_specs=pl.BlockSpec((bb, D), lambda i: (i, 0)),
        out_shape=jax.ShapeDtypeStruct((B, D), jnp.float32),
    )(seq, sums, t0)


def kernel(seq, table):
    seq = seq.astype(jnp.int32)
    sums = _sc_pooled_sum(seq.reshape(-1), table)
    return _tc_finalize(seq, sums, table[0:1, :])

# --- scband reference (transcript-rebuilt; emitter-appended) ---
"""Pipeline reference for scband-user-tower-4020089389097 (READ-ONLY COPY).

The authoritative reference and input builder live on the scoring server;
editing this copy changes nothing except your own understanding.
"""

import jax, jax.numpy as jnp
import numpy as np

VOCAB = 1000000
EMBED_DIM = 64
BATCH = 4096
HIST_LEN = 200

def setup_inputs(seed: int = 0) -> dict:
    key = jax.random.key(seed)
    k1, k2 = jax.random.split(key)
    seq = jax.random.randint(k1, (BATCH, HIST_LEN), 0, VOCAB)
    table = jax.random.normal(k2, (VOCAB, EMBED_DIM), dtype=jnp.float32) * 0.02
    return {"seq": seq, "table": table}

def reference(seq, table):
    # item_emb = self.item_embedding(seq)
    item_emb = jnp.take(table, seq, axis=0)  # [B, L, D]
    # mask = (seq != 0).float().unsqueeze(-1)
    mask = (seq != 0).astype(jnp.float32)[..., None]  # [B, L, 1]
    masked_emb = item_emb * mask
    sum_emb = masked_emb.sum(axis=1)  # [B, D]
    seq_len = mask.sum(axis=1) + 1e-09  # [B, 1]
    user_emb = sum_emb / seq_len
    # F.normalize(user_emb, dim=-1): x / max(||x||_2, eps), eps=1e-12
    norm = jnp.linalg.norm(user_emb, axis=-1, keepdims=True)
    user_emb = user_emb / jnp.maximum(norm, 1e-12)
    return user_emb

if __name__ == "__main__":
    import jax
    _d = setup_inputs()
    print(jax.jit(kernel)(*tuple(_d.values())))

</pallas_src>

<mosaic_0001>
#map = affine_map<(d0, d1) -> (0)>
#map1 = affine_map<(d0, d1) -> (0, 0)>
module attributes {stable_mosaic.version = 14 : i64} {
  func.func @k(%arg0: i32, %arg1: i32, %arg2: memref<819200xi32, #tpu.memory_space<hbm>>, %arg3: memref<1000000x64xf32, #tpu.memory_space<hbm>>, %arg4: memref<4096x64xf32, #tpu.memory_space<hbm>>, %arg5: memref<25600xi32, #tpu.memory_space<vmem>>, %arg6: memref<200x64xf32, #tpu.memory_space<vmem>>, %arg7: memref<200x64xf32, #tpu.memory_space<vmem>>, %arg8: memref<200x64xf32, #tpu.memory_space<vmem>>, %arg9: memref<200x64xf32, #tpu.memory_space<vmem>>, %arg10: memref<128x64xf32, #tpu.memory_space<vmem>>, %arg11: memref<!tpu.dma_semaphore, #tpu.memory_space<semaphore_mem>>, %arg12: memref<!tpu.dma_semaphore, #tpu.memory_space<semaphore_mem>>, %arg13: memref<!tpu.dma_semaphore, #tpu.memory_space<semaphore_mem>>, %arg14: memref<!tpu.dma_semaphore, #tpu.memory_space<semaphore_mem>>) attributes {dimension_semantics = [#tpu.dimension_semantics<core_parallel>, #tpu.dimension_semantics<subcore_parallel>], iteration_bounds = array<i64: 2, 16>, scalar_prefetch = 0 : i64, scratch_operands = 10 : i64, tpu.core_type = #tpu.core_type<sc_vector_subcore>, window_params = [{transform_indices = #map}, {transform_indices = #map1}, {transform_indices = #map1}]} {
    %mul3A = arith.constant 2 : i32
    %mul3A_0 = arith.muli %arg1, %mul3A : i32
    %add3A = arith.addi %mul3A_0, %arg0 : i32
    %mul3A_1 = arith.constant 25600 : i32
    %mul3A_2 = arith.muli %add3A, %mul3A_1 : i32
    %multiple_of3A = tpu.assume_multiple %mul3A_2, 8 : i32
    "tpu.region"() ({
      %run_scoped3A = tpu.sem_alloc : memref<!tpu.dma_semaphore, #tpu.memory_space<semaphore_mem>>
      %dma_start3A_82 = tpu.memref_slice %arg2[%multiple_of3A] : memref<819200xi32, #tpu.memory_space<hbm>> -> memref<25600xi32, #tpu.memory_space<hbm>>
      %dma_start3A_83 = tpu.memref_slice %arg2[%multiple_of3A] : memref<819200xi32, #tpu.memory_space<hbm>> -> memref<25600xi32, #tpu.memory_space<hbm>>
      tpu.enqueue_dma source(%dma_start3A_83 : memref<25600xi32, #tpu.memory_space<hbm>>) target(%arg5 : memref<25600xi32, #tpu.memory_space<vmem>>) target_semaphore(%run_scoped3A : memref<!tpu.dma_semaphore, #tpu.memory_space<semaphore_mem>>)
      %dma_wait3A = tpu.memref_slice %arg2[%multiple_of3A] : memref<819200xi32, #tpu.memory_space<hbm>> -> memref<25600xi32, #tpu.memory_space<hbm>>
      %dma_wait3A_84 = tpu.memref_slice %arg2[%multiple_of3A] : memref<819200xi32, #tpu.memory_space<hbm>> -> memref<25600xi32, #tpu.memory_space<hbm>>
      tpu.wait_dma2 semaphore(%run_scoped3A : memref<!tpu.dma_semaphore, #tpu.memory_space<semaphore_mem>>) src(%dma_wait3A_84 : memref<25600xi32, #tpu.memory_space<hbm>>) dst(%arg5 : memref<25600xi32, #tpu.memory_space<vmem>>)
      tpu.yield
    }) : () -> ()
    %multiple_of3A_3 = arith.constant 0 : i32
    %multiple_of3A_4 = tpu.assume_multiple %multiple_of3A_3, 8 : i32
    %dma_start3A = arith.constant 0 : i32
    %dma_start3A_5 = arith.constant 0 : i32
    %dma_start3A_6 = tpu.memref_slice %arg6[%dma_start3A, %dma_start3A_5] : memref<200x64xf32, #tpu.memory_space<vmem>> -> memref<128x64xf32, #tpu.memory_space<vmem>>
    %dma_start3A_7 = tpu.memref_slice %arg5[%multiple_of3A_4] : memref<25600xi32, #tpu.memory_space<vmem>> -> memref<128xi32, #tpu.memory_space<vmem>>
    %dma_start3A_8 = arith.constant 0 : i32
    %dma_start3A_9 = arith.constant 0 : i32
    %dma_start3A_10 = tpu.memref_slice %arg3[%dma_start3A_8, %dma_start3A_9] : memref<1000000x64xf32, #tpu.memory_space<hbm>> -> memref<1000000x64xf32, #tpu.memory_space<hbm>>
    tpu.enqueue_indirect_dma source(%dma_start3A_10 : memref<1000000x64xf32, #tpu.memory_space<hbm>>) target(%dma_start3A_6 : memref<128x64xf32, #tpu.memory_space<vmem>>) offsets(%dma_start3A_7 : memref<128xi32, #tpu.memory_space<vmem>>) semaphore(%arg11 : memref<!tpu.dma_semaphore, #tpu.memory_space<semaphore_mem>>)
    %add3A_11 = arith.constant 128 : i32
    %add3A_12 = arith.addi %multiple_of3A_4, %add3A_11 : i32
    %dma_start3A_13 = arith.constant 128 : i32
    %dma_start3A_14 = arith.constant 0 : i32
    %dma_start3A_15 = tpu.memref_slice %arg6[%dma_start3A_13, %dma_start3A_14] : memref<200x64xf32, #tpu.memory_space<vmem>> -> memref<72x64xf32, #tpu.memory_space<vmem>>
    %dma_start3A_16 = tpu.memref_slice %arg5[%add3A_12] : memref<25600xi32, #tpu.memory_space<vmem>> -> memref<72xi32, #tpu.memory_space<vmem>>
    %dma_start3A_17 = arith.constant 0 : i32
    %dma_start3A_18 = arith.constant 0 : i32
    %dma_start3A_19 = tpu.memref_slice %arg3[%dma_start3A_17, %dma_start3A_18] : memref<1000000x64xf32, #tpu.memory_space<hbm>> -> memref<1000000x64xf32, #tpu.memory_space<hbm>>
    tpu.enqueue_indirect_dma source(%dma_start3A_19 : memref<1000000x64xf32, #tpu.memory_space<hbm>>) target(%dma_start3A_15 : memref<72x64xf32, #tpu.memory_space<vmem>>) offsets(%dma_start3A_16 : memref<72xi32, #tpu.memory_space<vmem>>) semaphore(%arg11 : memref<!tpu.dma_semaphore, #tpu.memory_space<semaphore_mem>>)
    %multiple_of3A_20 = arith.constant 200 : i32
    %multiple_of3A_21 = tpu.assume_multiple %multiple_of3A_20, 8 : i32
    %dma_start3A_22 = arith.constant 0 : i32
    %dma_start3A_23 = arith.constant 0 : i32
    %dma_start3A_24 = tpu.memref_slice %arg7[%dma_start3A_22, %dma_start3A_23] : memref<200x64xf32, #tpu.memory_space<vmem>> -> memref<128x64xf32, #tpu.memory_space<vmem>>
    %dma_start3A_25 = tpu.memref_slice %arg5[%multiple_of3A_21] : memref<25600xi32, #tpu.memory_space<vmem>> -> memref<128xi32, #tpu.memory_space<vmem>>
    %dma_start3A_26 = arith.constant 0 : i32
    %dma_start3A_27 = arith.constant 0 : i32
    %dma_start3A_28 = tpu.memref_slice %arg3[%dma_start3A_26, %dma_start3A_27] : memref<1000000x64xf32, #tpu.memory_space<hbm>> -> memref<1000000x64xf32, #tpu.memory_space<hbm>>
    tpu.enqueue_indirect_dma source(%dma_start3A_28 : memref<1000000x64xf32, #tpu.memory_space<hbm>>) target(%dma_start3A_24 : memref<128x64xf32, #tpu.memory_space<vmem>>) offsets(%dma_start3A_25 : memref<128xi32, #tpu.memory_space<vmem>>) semaphore(%arg12 : memref<!tpu.dma_semaphore, #tpu.memory_space<semaphore_mem>>)
    %add3A_29 = arith.constant 128 : i32
    %add3A_30 = arith.addi %multiple_of3A_21, %add3A_29 : i32
    %dma_start3A_31 = arith.constant 128 : i32
    %dma_start3A_32 = arith.constant 0 : i32
    %dma_start3A_33 = tpu.memref_slice %arg7[%dma_start3A_31, %dma_start3A_32] : memref<200x64xf32, #tpu.memory_space<vmem>> -> memref<72x64xf32, #tpu.memory_space<vmem>>
    %dma_start3A_34 = tpu.memref_slice %arg5[%add3A_30] : memref<25600xi32, #tpu.memory_space<vmem>> -> memref<72xi32, #tpu.memory_space<vmem>>
    %dma_start3A_35 = arith.constant 0 : i32
    %dma_start3A_36 = arith.constant 0 : i32
    %dma_start3A_37 = tpu.memref_slice %arg3[%dma_start3A_35, %dma_start3A_36] : memref<1000000x64xf32, #tpu.memory_space<hbm>> -> memref<1000000x64xf32, #tpu.memory_space<hbm>>
    tpu.enqueue_indirect_dma source(%dma_start3A_37 : memref<1000000x64xf32, #tpu.memory_space<hbm>>) target(%dma_start3A_33 : memref<72x64xf32, #tpu.memory_space<vmem>>) offsets(%dma_start3A_34 : memref<72xi32, #tpu.memory_space<vmem>>) semaphore(%arg12 : memref<!tpu.dma_semaphore, #tpu.memory_space<semaphore_mem>>)
    %multiple_of3A_38 = arith.constant 400 : i32
    %multiple_of3A_39 = tpu.assume_multiple %multiple_of3A_38, 8 : i32
    %dma_start3A_40 = arith.constant 0 : i32
    %dma_start3A_41 = arith.constant 0 : i32
    %dma_start3A_42 = tpu.memref_slice %arg8[%dma_start3A_40, %dma_start3A_41] : memref<200x64xf32, #tpu.memory_space<vmem>> -> memref<128x64xf32, #tpu.memory_space<vmem>>
    %dma_start3A_43 = tpu.memref_slice %arg5[%multiple_of3A_39] : memref<25600xi32, #tpu.memory_space<vmem>> -> memref<128xi32, #tpu.memory_space<vmem>>
    %dma_start3A_44 = arith.constant 0 : i32
    %dma_start3A_45 = arith.constant 0 : i32
    %dma_start3A_46 = tpu.memref_slice %arg3[%dma_start3A_44, %dma_start3A_45] : memref<1000000x64xf32, #tpu.memory_space<hbm>> -> memref<1000000x64xf32, #tpu.memory_space<hbm>>
    tpu.enqueue_indirect_dma source(%dma_start3A_46 : memref<1000000x64xf32, #tpu.memory_space<hbm>>) target(%dma_start3A_42 : memref<128x64xf32, #tpu.memory_space<vmem>>) offsets(%dma_start3A_43 : memref<128xi32, #tpu.memory_space<vmem>>) semaphore(%arg13 : memref<!tpu.dma_semaphore, #tpu.memory_space<semaphore_mem>>)
    %add3A_47 = arith.constant 128 : i32
    %add3A_48 = arith.addi %multiple_of3A_39, %add3A_47 : i32
    %dma_start3A_49 = arith.constant 128 : i32
    %dma_start3A_50 = arith.constant 0 : i32
    %dma_start3A_51 = tpu.memref_slice %arg8[%dma_start3A_49, %dma_start3A_50] : memref<200x64xf32, #tpu.memory_space<vmem>> -> memref<72x64xf32, #tpu.memory_space<vmem>>
    %dma_start3A_52 = tpu.memref_slice %arg5[%add3A_48] : memref<25600xi32, #tpu.memory_space<vmem>> -> memref<72xi32, #tpu.memory_space<vmem>>
    %dma_start3A_53 = arith.constant 0 : i32
    %dma_start3A_54 = arith.constant 0 : i32
    %dma_start3A_55 = tpu.memref_slice %arg3[%dma_start3A_53, %dma_start3A_54] : memref<1000000x64xf32, #tpu.memory_space<hbm>> -> memref<1000000x64xf32, #tpu.memory_space<hbm>>
    tpu.enqueue_indirect_dma source(%dma_start3A_55 : memref<1000000x64xf32, #tpu.memory_space<hbm>>) target(%dma_start3A_51 : memref<72x64xf32, #tpu.memory_space<vmem>>) offsets(%dma_start3A_52 : memref<72xi32, #tpu.memory_space<vmem>>) semaphore(%arg13 : memref<!tpu.dma_semaphore, #tpu.memory_space<semaphore_mem>>)
    %multiple_of3A_56 = arith.constant 600 : i32
    %multiple_of3A_57 = tpu.assume_multiple %multiple_of3A_56, 8 : i32
    %dma_start3A_58 = arith.constant 0 : i32
    %dma_start3A_59 = arith.constant 0 : i32
    %dma_start3A_60 = tpu.memref_slice %arg9[%dma_start3A_58, %dma_start3A_59] : memref<200x64xf32, #tpu.memory_space<vmem>> -> memref<128x64xf32, #tpu.memory_space<vmem>>
    %dma_start3A_61 = tpu.memref_slice %arg5[%multiple_of3A_57] : memref<25600xi32, #tpu.memory_space<vmem>> -> memref<128xi32, #tpu.memory_space<vmem>>
    %dma_start3A_62 = arith.constant 0 : i32
    %dma_start3A_63 = arith.constant 0 : i32
    %dma_start3A_64 = tpu.memref_slice %arg3[%dma_start3A_62, %dma_start3A_63] : memref<1000000x64xf32, #tpu.memory_space<hbm>> -> memref<1000000x64xf32, #tpu.memory_space<hbm>>
    tpu.enqueue_indirect_dma source(%dma_start3A_64 : memref<1000000x64xf32, #tpu.memory_space<hbm>>) target(%dma_start3A_60 : memref<128x64xf32, #tpu.memory_space<vmem>>) offsets(%dma_start3A_61 : memref<128xi32, #tpu.memory_space<vmem>>) semaphore(%arg14 : memref<!tpu.dma_semaphore, #tpu.memory_space<semaphore_mem>>)
    %add3A_65 = arith.constant 128 : i32
    %add3A_66 = arith.addi %multiple_of3A_57, %add3A_65 : i32
    %dma_start3A_67 = arith.constant 128 : i32
    %dma_start3A_68 = arith.constant 0 : i32
    %dma_start3A_69 = tpu.memref_slice %arg9[%dma_start3A_67, %dma_start3A_68] : memref<200x64xf32, #tpu.memory_space<vmem>> -> memref<72x64xf32, #tpu.memory_space<vmem>>
    %dma_start3A_70 = tpu.memref_slice %arg5[%add3A_66] : memref<25600xi32, #tpu.memory_space<vmem>> -> memref<72xi32, #tpu.memory_space<vmem>>
    %dma_start3A_71 = arith.constant 0 : i32
    %dma_start3A_72 = arith.constant 0 : i32
    %dma_start3A_73 = tpu.memref_slice %arg3[%dma_start3A_71, %dma_start3A_72] : memref<1000000x64xf32, #tpu.memory_space<hbm>> -> memref<1000000x64xf32, #tpu.memory_space<hbm>>
    tpu.enqueue_indirect_dma source(%dma_start3A_73 : memref<1000000x64xf32, #tpu.memory_space<hbm>>) target(%dma_start3A_69 : memref<72x64xf32, #tpu.memory_space<vmem>>) offsets(%dma_start3A_70 : memref<72xi32, #tpu.memory_space<vmem>>) semaphore(%arg14 : memref<!tpu.dma_semaphore, #tpu.memory_space<semaphore_mem>>)
    %scan3A = arith.constant 0 : i32
    %scan3A_74 = arith.constant 0 : i32
    %scan3A_75 = arith.constant 32 : i32
    %scan3A_76 = arith.addi %scan3A_74, %scan3A_75 : i32
    %scan3A_77 = arith.constant 1 : i32
    scf.for %scan3A_82 = %scan3A_74 to %scan3A_76 step %scan3A_77  : i32 {
      %mul3A_83 = arith.constant 4 : i32
      %mul3A_84 = arith.muli %scan3A_82, %mul3A_83 : i32
      %add3A_85 = arith.constant 0 : i32
      %add3A_86 = arith.addi %mul3A_84, %add3A_85 : i32
      %dma_wait3A = arith.constant 0 : i32
      %dma_wait3A_87 = arith.constant 0 : i32
      %dma_wait3A_88 = tpu.memref_slice %arg6[%dma_wait3A, %dma_wait3A_87] : memref<200x64xf32, #tpu.memory_space<vmem>> -> memref<128x64xf32, #tpu.memory_space<vmem>>
      %dma_wait3A_89 = arith.constant 0 : i32
      %dma_wait3A_90 = tpu.memref_slice %arg5[%dma_wait3A_89] : memref<25600xi32, #tpu.memory_space<vmem>> -> memref<128xi32, #tpu.memory_space<vmem>>
      %dma_wait3A_91 = arith.constant 0 : i32
      %dma_wait3A_92 = arith.constant 0 : i32
      %dma_wait3A_93 = tpu.memref_slice %arg3[%dma_wait3A_91, %dma_wait3A_92] : memref<1000000x64xf32, #tpu.memory_space<hbm>> -> memref<1000000x64xf32, #tpu.memory_space<hbm>>
      tpu.wait_indirect_dma semaphore(%arg11 : memref<!tpu.dma_semaphore, #tpu.memory_space<semaphore_mem>>) src(%dma_wait3A_93 : memref<1000000x64xf32, #tpu.memory_space<hbm>>) dst(%dma_wait3A_88 : memref<128x64xf32, #tpu.memory_space<vmem>>)
      %dma_wait3A_94 = arith.constant 128 : i32
      %dma_wait3A_95 = arith.constant 0 : i32
      %dma_wait3A_96 = tpu.memref_slice %arg6[%dma_wait3A_94, %dma_wait3A_95] : memref<200x64xf32, #tpu.memory_space<vmem>> -> memref<72x64xf32, #tpu.memory_space<vmem>>
      %dma_wait3A_97 = arith.constant 0 : i32
      %dma_wait3A_98 = tpu.memref_slice %arg5[%dma_wait3A_97] : memref<25600xi32, #tpu.memory_space<vmem>> -> memref<72xi32, #tpu.memory_space<vmem>>
      %dma_wait3A_99 = arith.constant 0 : i32
      %dma_wait3A_100 = arith.constant 0 : i32
      %dma_wait3A_101 = tpu.memref_slice %arg3[%dma_wait3A_99, %dma_wait3A_100] : memref<1000000x64xf32, #tpu.memory_space<hbm>> -> memref<1000000x64xf32, #tpu.memory_space<hbm>>
      tpu.wait_indirect_dma semaphore(%arg11 : memref<!tpu.dma_semaphore, #tpu.memory_space<semaphore_mem>>) src(%dma_wait3A_101 : memref<1000000x64xf32, #tpu.memory_space<hbm>>) dst(%dma_wait3A_96 : memref<72x64xf32, #tpu.memory_space<vmem>>)
      %add3A_102 = arith.constant 4 : i32
      %add3A_103 = arith.addi %add3A_86, %add3A_102 : i32
      %lt3A = arith.constant 128 : i32
      %lt3A_104 = arith.cmpi slt, %add3A_103, %lt3A : i32
      %convert_element_type3A = arith.extui %lt3A_104 : i1 to i32
      %cond3A = arith.constant 0 : i32
      %cond3A_105 = arith.cmpi ne, %convert_element_type3A, %cond3A : i32
      scf.if %cond3A_105 {
        %add3A_321 = arith.constant 4 : i32
        %add3A_322 = arith.addi %add3A_86, %add3A_321 : i32
        %mul3A_323 = arith.constant 200 : i32
        %mul3A_324 = arith.muli %add3A_322, %mul3A_323 : i32
        %multiple_of3A_325 = tpu.assume_multiple %mul3A_324, 8 : i32
        %dma_start3A_326 = arith.constant 0 : i32
        %dma_start3A_327 = arith.constant 0 : i32
        %dma_start3A_328 = tpu.memref_slice %arg6[%dma_start3A_326, %dma_start3A_327] : memref<200x64xf32, #tpu.memory_space<vmem>> -> memref<128x64xf32, #tpu.memory_space<vmem>>
        %dma_start3A_329 = tpu.memref_slice %arg5[%multiple_of3A_325] : memref<25600xi32, #tpu.memory_space<vmem>> -> memref<128xi32, #tpu.memory_space<vmem>>
        %dma_start3A_330 = arith.constant 0 : i32
        %dma_start3A_331 = arith.constant 0 : i32
        %dma_start3A_332 = tpu.memref_slice %arg3[%dma_start3A_330, %dma_start3A_331] : memref<1000000x64xf32, #tpu.memory_space<hbm>> -> memref<1000000x64xf32, #tpu.memory_space<hbm>>
        tpu.enqueue_indirect_dma source(%dma_start3A_332 : memref<1000000x64xf32, #tpu.memory_space<hbm>>) target(%dma_start3A_328 : memref<128x64xf32, #tpu.memory_space<vmem>>) offsets(%dma_start3A_329 : memref<128xi32, #tpu.memory_space<vmem>>) semaphore(%arg11 : memref<!tpu.dma_semaphore, #tpu.memory_space<semaphore_mem>>)
        %add3A_333 = arith.constant 128 : i32
        %add3A_334 = arith.addi %multiple_of3A_325, %add3A_333 : i32
        %dma_start3A_335 = arith.constant 128 : i32
        %dma_start3A_336 = arith.constant 0 : i32
        %dma_start3A_337 = tpu.memref_slice %arg6[%dma_start3A_335, %dma_start3A_336] : memref<200x64xf32, #tpu.memory_space<vmem>> -> memref<72x64xf32, #tpu.memory_space<vmem>>
        %dma_start3A_338 = tpu.memref_slice %arg5[%add3A_334] : memref<25600xi32, #tpu.memory_space<vmem>> -> memref<72xi32, #tpu.memory_space<vmem>>
        %dma_start3A_339 = arith.constant 0 : i32
        %dma_start3A_340 = arith.constant 0 : i32
        %dma_start3A_341 = tpu.memref_slice %arg3[%dma_start3A_339, %dma_start3A_340] : memref<1000000x64xf32, #tpu.memory_space<hbm>> -> memref<1000000x64xf32, #tpu.memory_space<hbm>>
        tpu.enqueue_indirect_dma source(%dma_start3A_341 : memref<1000000x64xf32, #tpu.memory_space<hbm>>) target(%dma_start3A_337 : memref<72x64xf32, #tpu.memory_space<vmem>>) offsets(%dma_start3A_338 : memref<72xi32, #tpu.memory_space<vmem>>) semaphore(%arg11 : memref<!tpu.dma_semaphore, #tpu.memory_space<semaphore_mem>>)
      } else {
      }
      %broadcast_in_dim3A = arith.constant 0.000000e+00 : f32
      %broadcast_in_dim3A_106 = vector.broadcast %broadcast_in_dim3A : f32 to vector<16xf32>
      %broadcast_in_dim3A_107 = arith.constant 0.000000e+00 : f32
      %broadcast_in_dim3A_108 = vector.broadcast %broadcast_in_dim3A_107 : f32 to vector<16xf32>
      %broadcast_in_dim3A_109 = arith.constant 0.000000e+00 : f32
      %broadcast_in_dim3A_110 = vector.broadcast %broadcast_in_dim3A_109 : f32 to vector<16xf32>
      %broadcast_in_dim3A_111 = arith.constant 0.000000e+00 : f32
      %broadcast_in_dim3A_112 = vector.broadcast %broadcast_in_dim3A_111 : f32 to vector<16xf32>
      %scan3A_113 = arith.constant 0 : i32
      %scan3A_114 = arith.constant 200 : i32
      %scan3A_115 = arith.addi %scan3A_113, %scan3A_114 : i32
      %scan3A_116 = arith.constant 8 : i32
      %scan3A_117:4 = scf.for %scan3A_321 = %scan3A_113 to %scan3A_115 step %scan3A_116 iter_args(%scan3A_322 = %broadcast_in_dim3A_106, %scan3A_323 = %broadcast_in_dim3A_108, %scan3A_324 = %broadcast_in_dim3A_110, %scan3A_325 = %broadcast_in_dim3A_112) -> (vector<16xf32>, vector<16xf32>, vector<16xf32>, vector<16xf32>)  : i32 {
        %get3A = arith.index_cast %scan3A_321 : i32 to index
        %get3A_326 = arith.constant 0 : index
        %get3A_327 = tpu.vector_load %arg6[%get3A, %get3A_326] {strides = array<i32>} : memref<200x64xf32, #tpu.memory_space<vmem>>, vector<1x16xf32>,
        %get3A_328 = vector.shape_cast %get3A_327 : vector<1x16xf32> to vector<16xf32>
        %add3A_329 = arith.addf %scan3A_322, %get3A_328 : vector<16xf32>
        %get3A_330 = arith.index_cast %scan3A_321 : i32 to index
        %get3A_331 = arith.constant 16 : index
        %get3A_332 = tpu.vector_load %arg6[%get3A_330, %get3A_331] {strides = array<i32>} : memref<200x64xf32, #tpu.memory_space<vmem>>, vector<1x16xf32>,
        %get3A_333 = vector.shape_cast %get3A_332 : vector<1x16xf32> to vector<16xf32>
        %add3A_334 = arith.addf %scan3A_323, %get3A_333 : vector<16xf32>
        %get3A_335 = arith.index_cast %scan3A_321 : i32 to index
        %get3A_336 = arith.constant 32 : index
        %get3A_337 = tpu.vector_load %arg6[%get3A_335, %get3A_336] {strides = array<i32>} : memref<200x64xf32, #tpu.memory_space<vmem>>, vector<1x16xf32>,
        %get3A_338 = vector.shape_cast %get3A_337 : vector<1x16xf32> to vector<16xf32>
        %add3A_339 = arith.addf %scan3A_324, %get3A_338 : vector<16xf32>
        %get3A_340 = arith.index_cast %scan3A_321 : i32 to index
        %get3A_341 = arith.constant 48 : index
        %get3A_342 = tpu.vector_load %arg6[%get3A_340, %get3A_341] {strides = array<i32>} : memref<200x64xf32, #tpu.memory_space<vmem>>, vector<1x16xf32>,
        %get3A_343 = vector.shape_cast %get3A_342 : vector<1x16xf32> to vector<16xf32>
        %add3A_344 = arith.addf %scan3A_325, %get3A_343 : vector<16xf32>
        %scan3A_345 = arith.constant 1 : i32
        %scan3A_346 = arith.addi %scan3A_321, %scan3A_345 : i32
        %get3A_347 = arith.index_cast %scan3A_346 : i32 to index
        %get3A_348 = arith.constant 0 : index
        %get3A_349 = tpu.vector_load %arg6[%get3A_347, %get3A_348] {strides = array<i32>} : memref<200x64xf32, #tpu.memory_space<vmem>>, vector<1x16xf32>,
        %get3A_350 = vector.shape_cast %get3A_349 : vector<1x16xf32> to vector<16xf32>
        %add3A_351 = arith.addf %add3A_329, %get3A_350 : vector<16xf32>
        %get3A_352 = arith.index_cast %scan3A_346 : i32 to index
        %get3A_353 = arith.constant 16 : index
        %get3A_354 = tpu.vector_load %arg6[%get3A_352, %get3A_353] {strides = array<i32>} : memref<200x64xf32, #tpu.memory_space<vmem>>, vector<1x16xf32>,
        %get3A_355 = vector.shape_cast %get3A_354 : vector<1x16xf32> to vector<16xf32>
        %add3A_356 = arith.addf %add3A_334, %get3A_355 : vector<16xf32>
        %get3A_357 = arith.index_cast %scan3A_346 : i32 to index
        %get3A_358 = arith.constant 32 : index
        %get3A_359 = tpu.vector_load %arg6[%get3A_357, %get3A_358] {strides = array<i32>} : memref<200x64xf32, #tpu.memory_space<vmem>>, vector<1x16xf32>,
        %get3A_360 = vector.shape_cast %get3A_359 : vector<1x16xf32> to vector<16xf32>
        %add3A_361 = arith.addf %add3A_339, %get3A_360 : vector<16xf32>
        %get3A_362 = arith.index_cast %scan3A_346 : i32 to index
        %get3A_363 = arith.constant 48 : index
        %get3A_364 = tpu.vector_load %arg6[%get3A_362, %get3A_363] {strides = array<i32>} : memref<200x64xf32, #tpu.memory_space<vmem>>, vector<1x16xf32>,
        %get3A_365 = vector.shape_cast %get3A_364 : vector<1x16xf32> to vector<16xf32>
        %add3A_366 = arith.addf %add3A_344, %get3A_365 : vector<16xf32>
        %scan3A_367 = arith.constant 2 : i32
        %scan3A_368 = arith.addi %scan3A_321, %scan3A_367 : i32
        %get3A_369 = arith.index_cast %scan3A_368 : i32 to index
        %get3A_370 = arith.constant 0 : index
        %get3A_371 = tpu.vector_load %arg6[%get3A_369, %get3A_370] {strides = array<i32>} : memref<200x64xf32, #tpu.memory_space<vmem>>, vector<1x16xf32>,
        %get3A_372 = vector.shape_cast %get3A_371 : vector<1x16xf32> to vector<16xf32>
        %add3A_373 = arith.addf %add3A_351, %get3A_372 : vector<16xf32>
        %get3A_374 = arith.index_cast %scan3A_368 : i32 to index
        %get3A_375 = arith.constant 16 : index
        %get3A_376 = tpu.vector_load %arg6[%get3A_374, %get3A_375] {strides = array<i32>} : memref<200x64xf32, #tpu.memory_space<vmem>>, vector<1x16xf32>,
        %get3A_377 = vector.shape_cast %get3A_376 : vector<1x16xf32> to vector<16xf32>
        %add3A_378 = arith.addf %add3A_356, %get3A_377 : vector<16xf32>
        %get3A_379 = arith.index_cast %scan3A_368 : i32 to index
        %get3A_380 = arith.constant 32 : index
        %get3A_381 = tpu.vector_load %arg6[%get3A_379, %get3A_380] {strides = array<i32>} : memref<200x64xf32, #tpu.memory_space<vmem>>, vector<1x16xf32>,
        %get3A_382 = vector.shape_cast %get3A_381 : vector<1x16xf32> to vector<16xf32>
        %add3A_383 = arith.addf %add3A_361, %get3A_382 : vector<16xf32>
        %get3A_384 = arith.index_cast %scan3A_368 : i32 to index
        %get3A_385 = arith.constant 48 : index
        %get3A_386 = tpu.vector_load %arg6[%get3A_384, %get3A_385] {strides = array<i32>} : memref<200x64xf32, #tpu.memory_space<vmem>>, vector<1x16xf32>,
        %get3A_387 = vector.shape_cast %get3A_386 : vector<1x16xf32> to vector<16xf32>
        %add3A_388 = arith.addf %add3A_366, %get3A_387 : vector<16xf32>
        %scan3A_389 = arith.constant 3 : i32
        %scan3A_390 = arith.addi %scan3A_321, %scan3A_389 : i32
        %get3A_391 = arith.index_cast %scan3A_390 : i32 to index
        %get3A_392 = arith.constant 0 : index
        %get3A_393 = tpu.vector_load %arg6[%get3A_391, %get3A_392] {strides = array<i32>} : memref<200x64xf32, #tpu.memory_space<vmem>>, vector<1x16xf32>,
        %get3A_394 = vector.shape_cast %get3A_393 : vector<1x16xf32> to vector<16xf32>
        %add3A_395 = arith.addf %add3A_373, %get3A_394 : vector<16xf32>
        %get3A_396 = arith.index_cast %scan3A_390 : i32 to index
        %get3A_397 = arith.constant 16 : index
        %get3A_398 = tpu.vector_load %arg6[%get3A_396, %get3A_397] {strides = array<i32>} : memref<200x64xf32, #tpu.memory_space<vmem>>, vector<1x16xf32>,
        %get3A_399 = vector.shape_cast %get3A_398 : vector<1x16xf32> to vector<16xf32>
        %add3A_400 = arith.addf %add3A_378, %get3A_399 : vector<16xf32>
        %get3A_401 = arith.index_cast %scan3A_390 : i32 to index
        %get3A_402 = arith.constant 32 : index
        %get3A_403 = tpu.vector_load %arg6[%get3A_401, %get3A_402] {strides = array<i32>} : memref<200x64xf32, #tpu.memory_space<vmem>>, vector<1x16xf32>,
        %get3A_404 = vector.shape_cast %get3A_403 : vector<1x16xf32> to vector<16xf32>
        %add3A_405 = arith.addf %add3A_383, %get3A_404 : vector<16xf32>
        %get3A_406 = arith.index_cast %scan3A_390 : i32 to index
        %get3A_407 = arith.constant 48 : index
        %get3A_408 = tpu.vector_load %arg6[%get3A_406, %get3A_407] {strides = array<i32>} : memref<200x64xf32, #tpu.memory_space<vmem>>, vector<1x16xf32>,
        %get3A_409 = vector.shape_cast %get3A_408 : vector<1x16xf32> to vector<16xf32>
        %add3A_410 = arith.addf %add3A_388, %get3A_409 : vector<16xf32>
        %scan3A_411 = arith.constant 4 : i32
        %scan3A_412 = arith.addi %scan3A_321, %scan3A_411 : i32
        %get3A_413 = arith.index_cast %scan3A_412 : i32 to index
        %get3A_414 = arith.constant 0 : index
        %get3A_415 = tpu.vector_load %arg6[%get3A_413, %get3A_414] {strides = array<i32>} : memref<200x64xf32, #tpu.memory_space<vmem>>, vector<1x16xf32>,
        %get3A_416 = vector.shape_cast %get3A_415 : vector<1x16xf32> to vector<16xf32>
        %add3A_417 = arith.addf %add3A_395, %get3A_416 : vector<16xf32>
        %get3A_418 = arith.index_cast %scan3A_412 : i32 to index
        %get3A_419 = arith.constant 16 : index
        %get3A_420 = tpu.vector_load %arg6[%get3A_418, %get3A_419] {strides = array<i32>} : memref<200x64xf32, #tpu.memory_space<vmem>>, vector<1x16xf32>,
        %get3A_421 = vector.shape_cast %get3A_420 : vector<1x16xf32> to vector<16xf32>
        %add3A_422 = arith.addf %add3A_400, %get3A_421 : vector<16xf32>
        %get3A_423 = arith.index_cast %scan3A_412 : i32 to index
        %get3A_424 = arith.constant 32 : index
        %get3A_425 = tpu.vector_load %arg6[%get3A_423, %get3A_424] {strides = array<i32>} : memref<200x64xf32, #tpu.memory_space<vmem>>, vector<1x16xf32>,
        %get3A_426 = vector.shape_cast %get3A_425 : vector<1x16xf32> to vector<16xf32>
        %add3A_427 = arith.addf %add3A_405, %get3A_426 : vector<16xf32>
        %get3A_428 = arith.index_cast %scan3A_412 : i32 to index
        %get3A_429 = arith.constant 48 : index
        %get3A_430 = tpu.vector_load %arg6[%get3A_428, %get3A_429] {strides = array<i32>} : memref<200x64xf32, #tpu.memory_space<vmem>>, vector<1x16xf32>,
        %get3A_431 = vector.shape_cast %get3A_430 : vector<1x16xf32> to vector<16xf32>
        %add3A_432 = arith.addf %add3A_410, %get3A_431 : vector<16xf32>
        %scan3A_433 = arith.constant 5 : i32
        %scan3A_434 = arith.addi %scan3A_321, %scan3A_433 : i32
        %get3A_435 = arith.index_cast %scan3A_434 : i32 to index
        %get3A_436 = arith.constant 0 : index
        %get3A_437 = tpu.vector_load %arg6[%get3A_435, %get3A_436] {strides = array<i32>} : memref<200x64xf32, #tpu.memory_space<vmem>>, vector<1x16xf32>,
        %get3A_438 = vector.shape_cast %get3A_437 : vector<1x16xf32> to vector<16xf32>
        %add3A_439 = arith.addf %add3A_417, %get3A_438 : vector<16xf32>
        %get3A_440 = arith.index_cast %scan3A_434 : i32 to index
        %get3A_441 = arith.constant 16 : index
        %get3A_442 = tpu.vector_load %arg6[%get3A_440, %get3A_441] {strides = array<i32>} : memref<200x64xf32, #tpu.memory_space<vmem>>, vector<1x16xf32>,
        %get3A_443 = vector.shape_cast %get3A_442 : vector<1x16xf32> to vector<16xf32>
        %add3A_444 = arith.addf %add3A_422, %get3A_443 : vector<16xf32>
        %get3A_445 = arith.index_cast %scan3A_434 : i32 to index
        %get3A_446 = arith.constant 32 : index
        %get3A_447 = tpu.vector_load %arg6[%get3A_445, %get3A_446] {strides = array<i32>} : memref<200x64xf32, #tpu.memory_space<vmem>>, vector<1x16xf32>,
        %get3A_448 = vector.shape_cast %get3A_447 : vector<1x16xf32> to vector<16xf32>
        %add3A_449 = arith.addf %add3A_427, %get3A_448 : vector<16xf32>
        %get3A_450 = arith.index_cast %scan3A_434 : i32 to index
        %get3A_451 = arith.constant 48 : index
        %get3A_452 = tpu.vector_load %arg6[%get3A_450, %get3A_451] {strides = array<i32>} : memref<200x64xf32, #tpu.memory_space<vmem>>, vector<1x16xf32>,
        %get3A_453 = vector.shape_cast %get3A_452 : vector<1x16xf32> to vector<16xf32>
        %add3A_454 = arith.addf %add3A_432, %get3A_453 : vector<16xf32>
        %scan3A_455 = arith.constant 6 : i32
        %scan3A_456 = arith.addi %scan3A_321, %scan3A_455 : i32
        %get3A_457 = arith.index_cast %scan3A_456 : i32 to index
        %get3A_458 = arith.constant 0 : index
        %get3A_459 = tpu.vector_load %arg6[%get3A_457, %get3A_458] {strides = array<i32>} : memref<200x64xf32, #tpu.memory_space<vmem>>, vector<1x16xf32>,
        %get3A_460 = vector.shape_cast %get3A_459 : vector<1x16xf32> to vector<16xf32>
        %add3A_461 = arith.addf %add3A_439, %get3A_460 : vector<16xf32>
        %get3A_462 = arith.index_cast %scan3A_456 : i32 to index
        %get3A_463 = arith.constant 16 : index
        %get3A_464 = tpu.vector_load %arg6[%get3A_462, %get3A_463] {strides = array<i32>} : memref<200x64xf32, #tpu.memory_space<vmem>>, vector<1x16xf32>,
        %get3A_465 = vector.shape_cast %get3A_464 : vector<1x16xf32> to vector<16xf32>
        %add3A_466 = arith.addf %add3A_444, %get3A_465 : vector<16xf32>
        %get3A_467 = arith.index_cast %scan3A_456 : i32 to index
        %get3A_468 = arith.constant 32 : index
        %get3A_469 = tpu.vector_load %arg6[%get3A_467, %get3A_468] {strides = array<i32>} : memref<200x64xf32, #tpu.memory_space<vmem>>, vector<1x16xf32>,
        %get3A_470 = vector.shape_cast %get3A_469 : vector<1x16xf32> to vector<16xf32>
        %add3A_471 = arith.addf %add3A_449, %get3A_470 : vector<16xf32>
        %get3A_472 = arith.index_cast %scan3A_456 : i32 to index
        %get3A_473 = arith.constant 48 : index
        %get3A_474 = tpu.vector_load %arg6[%get3A_472, %get3A_473] {strides = array<i32>} : memref<200x64xf32, #tpu.memory_space<vmem>>, vector<1x16xf32>,
        %get3A_475 = vector.shape_cast %get3A_474 : vector<1x16xf32> to vector<16xf32>
        %add3A_476 = arith.addf %add3A_454, %get3A_475 : vector<16xf32>
        %scan3A_477 = arith.constant 7 : i32
        %scan3A_478 = arith.addi %scan3A_321, %scan3A_477 : i32
        %get3A_479 = arith.index_cast %scan3A_478 : i32 to index
        %get3A_480 = arith.constant 0 : index
        %get3A_481 = tpu.vector_load %arg6[%get3A_479, %get3A_480] {strides = array<i32>} : memref<200x64xf32, #tpu.memory_space<vmem>>, vector<1x16xf32>,
        %get3A_482 = vector.shape_cast %get3A_481 : vector<1x16xf32> to vector<16xf32>
        %add3A_483 = arith.addf %add3A_461, %get3A_482 : vector<16xf32>
        %get3A_484 = arith.index_cast %scan3A_478 : i32 to index
        %get3A_485 = arith.constant 16 : index
        %get3A_486 = tpu.vector_load %arg6[%get3A_484, %get3A_485] {strides = array<i32>} : memref<200x64xf32, #tpu.memory_space<vmem>>, vector<1x16xf32>,
        %get3A_487 = vector.shape_cast %get3A_486 : vector<1x16xf32> to vector<16xf32>
        %add3A_488 = arith.addf %add3A_466, %get3A_487 : vector<16xf32>
        %get3A_489 = arith.index_cast %scan3A_478 : i32 to index
        %get3A_490 = arith.constant 32 : index
        %get3A_491 = tpu.vector_load %arg6[%get3A_489, %get3A_490] {strides = array<i32>} : memref<200x64xf32, #tpu.memory_space<vmem>>, vector<1x16xf32>,
        %get3A_492 = vector.shape_cast %get3A_491 : vector<1x16xf32> to vector<16xf32>
        %add3A_493 = arith.addf %add3A_471, %get3A_492 : vector<16xf32>
        %get3A_494 = arith.index_cast %scan3A_478 : i32 to index
        %get3A_495 = arith.constant 48 : index
        %get3A_496 = tpu.vector_load %arg6[%get3A_494, %get3A_495] {strides = array<i32>} : memref<200x64xf32, #tpu.memory_space<vmem>>, vector<1x16xf32>,
        %get3A_497 = vector.shape_cast %get3A_496 : vector<1x16xf32> to vector<16xf32>
        %add3A_498 = arith.addf %add3A_476, %get3A_497 : vector<16xf32>
        scf.yield %add3A_483, %add3A_488, %add3A_493, %add3A_498 : vector<16xf32>, vector<16xf32>, vector<16xf32>, vector<16xf32>
      }
      %scan3A_118 = arith.constant 200 : i32
      %swap3A = arith.index_cast %add3A_86 : i32 to index
      %swap3A_119 = arith.constant 0 : index
      %swap3A_120 = tpu.vector_load %arg10[%swap3A, %swap3A_119] {strides = array<i32>} : memref<128x64xf32, #tpu.memory_space<vmem>>, vector<1x16xf32>,
      %swap3A_121 = vector.shape_cast %swap3A_120 : vector<1x16xf32> to vector<16xf32>
      %swap3A_122 = vector.shape_cast %scan3A_117#0 : vector<16xf32> to vector<1x16xf32>
      tpu.vector_store %arg10[%swap3A, %swap3A_119], %swap3A_122 {strides = array<i32>} : memref<128x64xf32, #tpu.memory_space<vmem>>, vector<1x16xf32>,
      %swap3A_123 = arith.index_cast %add3A_86 : i32 to index
      %swap3A_124 = arith.constant 16 : index
      %swap3A_125 = tpu.vector_load %arg10[%swap3A_123, %swap3A_124] {strides = array<i32>} : memref<128x64xf32, #tpu.memory_space<vmem>>, vector<1x16xf32>,
      %swap3A_126 = vector.shape_cast %swap3A_125 : vector<1x16xf32> to vector<16xf32>
      %swap3A_127 = vector.shape_cast %scan3A_117#1 : vector<16xf32> to vector<1x16xf32>
      tpu.vector_store %arg10[%swap3A_123, %swap3A_124], %swap3A_127 {strides = array<i32>} : memref<128x64xf32, #tpu.memory_space<vmem>>, vector<1x16xf32>,
      %swap3A_128 = arith.index_cast %add3A_86 : i32 to index
      %swap3A_129 = arith.constant 32 : index
      %swap3A_130 = tpu.vector_load %arg10[%swap3A_128, %swap3A_129] {strides = array<i32>} : memref<128x64xf32, #tpu.memory_space<vmem>>, vector<1x16xf32>,
      %swap3A_131 = vector.shape_cast %swap3A_130 : vector<1x16xf32> to vector<16xf32>
      %swap3A_132 = vector.shape_cast %scan3A_117#2 : vector<16xf32> to vector<1x16xf32>
      tpu.vector_store %arg10[%swap3A_128, %swap3A_129], %swap3A_132 {strides = array<i32>} : memref<128x64xf32, #tpu.memory_space<vmem>>, vector<1x16xf32>,
      %swap3A_133 = arith.index_cast %add3A_86 : i32 to index
      %swap3A_134 = arith.constant 48 : index
      %swap3A_135 = tpu.vector_load %arg10[%swap3A_133, %swap3A_134] {strides = array<i32>} : memref<128x64xf32, #tpu.memory_space<vmem>>, vector<1x16xf32>,
      %swap3A_136 = vector.shape_cast %swap3A_135 : vector<1x16xf32> to vector<16xf32>
      %swap3A_137 = vector.shape_cast %scan3A_117#3 : vector<16xf32> to vector<1x16xf32>
      tpu.vector_store %arg10[%swap3A_133, %swap3A_134], %swap3A_137 {strides = array<i32>} : memref<128x64xf32, #tpu.memory_space<vmem>>, vector<1x16xf32>,
      %mul3A_138 = arith.constant 4 : i32
      %mul3A_139 = arith.muli %scan3A_82, %mul3A_138 : i32
      %add3A_140 = arith.constant 1 : i32
      %add3A_141 = arith.addi %mul3A_139, %add3A_140 : i32
      %dma_wait3A_142 = arith.constant 0 : i32
      %dma_wait3A_143 = arith.constant 0 : i32
      %dma_wait3A_144 = tpu.memref_slice %arg7[%dma_wait3A_142, %dma_wait3A_143] : memref<200x64xf32, #tpu.memory_space<vmem>> -> memref<128x64xf32, #tpu.memory_space<vmem>>
      %dma_wait3A_145 = arith.constant 0 : i32
      %dma_wait3A_146 = tpu.memref_slice %arg5[%dma_wait3A_145] : memref<25600xi32, #tpu.memory_space<vmem>> -> memref<128xi32, #tpu.memory_space<vmem>>
      %dma_wait3A_147 = arith.constant 0 : i32
      %dma_wait3A_148 = arith.constant 0 : i32
      %dma_wait3A_149 = tpu.memref_slice %arg3[%dma_wait3A_147, %dma_wait3A_148] : memref<1000000x64xf32, #tpu.memory_space<hbm>> -> memref<1000000x64xf32, #tpu.memory_space<hbm>>
      tpu.wait_indirect_dma semaphore(%arg12 : memref<!tpu.dma_semaphore, #tpu.memory_space<semaphore_mem>>) src(%dma_wait3A_149 : memref<1000000x64xf32, #tpu.memory_space<hbm>>) dst(%dma_wait3A_144 : memref<128x64xf32, #tpu.memory_space<vmem>>)
      %dma_wait3A_150 = arith.constant 128 : i32
      %dma_wait3A_151 = arith.constant 0 : i32
      %dma_wait3A_152 = tpu.memref_slice %arg7[%dma_wait3A_150, %dma_wait3A_151] : memref<200x64xf32, #tpu.memory_space<vmem>> -> memref<72x64xf32, #tpu.memory_space<vmem>>
      %dma_wait3A_153 = arith.constant 0 : i32
      %dma_wait3A_154 = tpu.memref_slice %arg5[%dma_wait3A_153] : memref<25600xi32, #tpu.memory_space<vmem>> -> memref<72xi32, #tpu.memory_space<vmem>>
      %dma_wait3A_155 = arith.constant 0 : i32
      %dma_wait3A_156 = arith.constant 0 : i32
      %dma_wait3A_157 = tpu.memref_slice %arg3[%dma_wait3A_155, %dma_wait3A_156] : memref<1000000x64xf32, #tpu.memory_space<hbm>> -> memref<1000000x64xf32, #tpu.memory_space<hbm>>
      tpu.wait_indirect_dma semaphore(%arg12 : memref<!tpu.dma_semaphore, #tpu.memory_space<semaphore_mem>>) src(%dma_wait3A_157 : memref<1000000x64xf32, #tpu.memory_space<hbm>>) dst(%dma_wait3A_152 : memref<72x64xf32, #tpu.memory_space<vmem>>)
      %add3A_158 = arith.constant 4 : i32
      %add3A_159 = arith.addi %add3A_141, %add3A_158 : i32
      %lt3A_160 = arith.constant 128 : i32
      %lt3A_161 = arith.cmpi slt, %add3A_159, %lt3A_160 : i32
      %convert_element_type3A_162 = arith.extui %lt3A_161 : i1 to i32
      %cond3A_163 = arith.constant 0 : i32
      %cond3A_164 = arith.cmpi ne, %convert_element_type3A_162, %cond3A_163 : i32
      scf.if %cond3A_164 {
        %add3A_321 = arith.constant 4 : i32
        %add3A_322 = arith.addi %add3A_141, %add3A_321 : i32
        %mul3A_323 = arith.constant 200 : i32
        %mul3A_324 = arith.muli %add3A_322, %mul3A_323 : i32
        %multiple_of3A_325 = tpu.assume_multiple %mul3A_324, 8 : i32
        %dma_start3A_326 = arith.constant 0 : i32
        %dma_start3A_327 = arith.constant 0 : i32
        %dma_start3A_328 = tpu.memref_slice %arg7[%dma_start3A_326, %dma_start3A_327] : memref<200x64xf32, #tpu.memory_space<vmem>> -> memref<128x64xf32, #tpu.memory_space<vmem>>
        %dma_start3A_329 = tpu.memref_slice %arg5[%multiple_of3A_325] : memref<25600xi32, #tpu.memory_space<vmem>> -> memref<128xi32, #tpu.memory_space<vmem>>
        %dma_start3A_330 = arith.constant 0 : i32
        %dma_start3A_331 = arith.constant 0 : i32
        %dma_start3A_332 = tpu.memref_slice %arg3[%dma_start3A_330, %dma_start3A_331] : memref<1000000x64xf32, #tpu.memory_space<hbm>> -> memref<1000000x64xf32, #tpu.memory_space<hbm>>
        tpu.enqueue_indirect_dma source(%dma_start3A_332 : memref<1000000x64xf32, #tpu.memory_space<hbm>>) target(%dma_start3A_328 : memref<128x64xf32, #tpu.memory_space<vmem>>) offsets(%dma_start3A_329 : memref<128xi32, #tpu.memory_space<vmem>>) semaphore(%arg12 : memref<!tpu.dma_semaphore, #tpu.memory_space<semaphore_mem>>)
        %add3A_333 = arith.constant 128 : i32
        %add3A_334 = arith.addi %multiple_of3A_325, %add3A_333 : i32
        %dma_start3A_335 = arith.constant 128 : i32
        %dma_start3A_336 = arith.constant 0 : i32
        %dma_start3A_337 = tpu.memref_slice %arg7[%dma_start3A_335, %dma_start3A_336] : memref<200x64xf32, #tpu.memory_space<vmem>> -> memref<72x64xf32, #tpu.memory_space<vmem>>
        %dma_start3A_338 = tpu.memref_slice %arg5[%add3A_334] : memref<25600xi32, #tpu.memory_space<vmem>> -> memref<72xi32, #tpu.memory_space<vmem>>
        %dma_start3A_339 = arith.constant 0 : i32
        %dma_start3A_340 = arith.constant 0 : i32
        %dma_start3A_341 = tpu.memref_slice %arg3[%dma_start3A_339, %dma_start3A_340] : memref<1000000x64xf32, #tpu.memory_space<hbm>> -> memref<1000000x64xf32, #tpu.memory_space<hbm>>
        tpu.enqueue_indirect_dma source(%dma_start3A_341 : memref<1000000x64xf32, #tpu.memory_space<hbm>>) target(%dma_start3A_337 : memref<72x64xf32, #tpu.memory_space<vmem>>) offsets(%dma_start3A_338 : memref<72xi32, #tpu.memory_space<vmem>>) semaphore(%arg12 : memref<!tpu.dma_semaphore, #tpu.memory_space<semaphore_mem>>)
      } else {
      }
      %broadcast_in_dim3A_165 = arith.constant 0.000000e+00 : f32
      %broadcast_in_dim3A_166 = vector.broadcast %broadcast_in_dim3A_165 : f32 to vector<16xf32>
      %broadcast_in_dim3A_167 = arith.constant 0.000000e+00 : f32
      %broadcast_in_dim3A_168 = vector.broadcast %broadcast_in_dim3A_167 : f32 to vector<16xf32>
      %broadcast_in_dim3A_169 = arith.constant 0.000000e+00 : f32
      %broadcast_in_dim3A_170 = vector.broadcast %broadcast_in_dim3A_169 : f32 to vector<16xf32>
      %broadcast_in_dim3A_171 = arith.constant 0.000000e+00 : f32
      %broadcast_in_dim3A_172 = vector.broadcast %broadcast_in_dim3A_171 : f32 to vector<16xf32>
      %scan3A_173 = arith.constant 0 : i32
      %scan3A_174 = arith.constant 200 : i32
      %scan3A_175 = arith.addi %scan3A_173, %scan3A_174 : i32
      %scan3A_176 = arith.constant 8 : i32
      %scan3A_177:4 = scf.for %scan3A_321 = %scan3A_173 to %scan3A_175 step %scan3A_176 iter_args(%scan3A_322 = %broadcast_in_dim3A_166, %scan3A_323 = %broadcast_in_dim3A_168, %scan3A_324 = %broadcast_in_dim3A_170, %scan3A_325 = %broadcast_in_dim3A_172) -> (vector<16xf32>, vector<16xf32>, vector<16xf32>, vector<16xf32>)  : i32 {
        %get3A = arith.index_cast %scan3A_321 : i32 to index
        %get3A_326 = arith.constant 0 : index
        %get3A_327 = tpu.vector_load %arg7[%get3A, %get3A_326] {strides = array<i32>} : memref<200x64xf32, #tpu.memory_space<vmem>>, vector<1x16xf32>,
        %get3A_328 = vector.shape_cast %get3A_327 : vector<1x16xf32> to vector<16xf32>
        %add3A_329 = arith.addf %scan3A_322, %get3A_328 : vector<16xf32>
        %get3A_330 = arith.index_cast %scan3A_321 : i32 to index
        %get3A_331 = arith.constant 16 : index
        %get3A_332 = tpu.vector_load %arg7[%get3A_330, %get3A_331] {strides = array<i32>} : memref<200x64xf32, #tpu.memory_space<vmem>>, vector<1x16xf32>,
        %get3A_333 = vector.shape_cast %get3A_332 : vector<1x16xf32> to vector<16xf32>
        %add3A_334 = arith.addf %scan3A_323, %get3A_333 : vector<16xf32>
        %get3A_335 = arith.index_cast %scan3A_321 : i32 to index
        %get3A_336 = arith.constant 32 : index
        %get3A_337 = tpu.vector_load %arg7[%get3A_335, %get3A_336] {strides = array<i32>} : memref<200x64xf32, #tpu.memory_space<vmem>>, vector<1x16xf32>,
        %get3A_338 = vector.shape_cast %get3A_337 : vector<1x16xf32> to vector<16xf32>
        %add3A_339 = arith.addf %scan3A_324, %get3A_338 : vector<16xf32>
        %get3A_340 = arith.index_cast %scan3A_321 : i32 to index
        %get3A_341 = arith.constant 48 : index
        %get3A_342 = tpu.vector_load %arg7[%get3A_340, %get3A_341] {strides = array<i32>} : memref<200x64xf32, #tpu.memory_space<vmem>>, vector<1x16xf32>,
        %get3A_343 = vector.shape_cast %get3A_342 : vector<1x16xf32> to vector<16xf32>
        %add3A_344 = arith.addf %scan3A_325, %get3A_343 : vector<16xf32>
        %scan3A_345 = arith.constant 1 : i32
        %scan3A_346 = arith.addi %scan3A_321, %scan3A_345 : i32
        %get3A_347 = arith.index_cast %scan3A_346 : i32 to index
        %get3A_348 = arith.constant 0 : index
        %get3A_349 = tpu.vector_load %arg7[%get3A_347, %get3A_348] {strides = array<i32>} : memref<200x64xf32, #tpu.memory_space<vmem>>, vector<1x16xf32>,
        %get3A_350 = vector.shape_cast %get3A_349 : vector<1x16xf32> to vector<16xf32>
        %add3A_351 = arith.addf %add3A_329, %get3A_350 : vector<16xf32>
        %get3A_352 = arith.index_cast %scan3A_346 : i32 to index
        %get3A_353 = arith.constant 16 : index
        %get3A_354 = tpu.vector_load %arg7[%get3A_352, %get3A_353] {strides = array<i32>} : memref<200x64xf32, #tpu.memory_space<vmem>>, vector<1x16xf32>,
        %get3A_355 = vector.shape_cast %get3A_354 : vector<1x16xf32> to vector<16xf32>
        %add3A_356 = arith.addf %add3A_334, %get3A_355 : vector<16xf32>
        %get3A_357 = arith.index_cast %scan3A_346 : i32 to index
        %get3A_358 = arith.constant 32 : index
        %get3A_359 = tpu.vector_load %arg7[%get3A_357, %get3A_358] {strides = array<i32>} : memref<200x64xf32, #tpu.memory_space<vmem>>, vector<1x16xf32>,
        %get3A_360 = vector.shape_cast %get3A_359 : vector<1x16xf32> to vector<16xf32>
        %add3A_361 = arith.addf %add3A_339, %get3A_360 : vector<16xf32>
        %get3A_362 = arith.index_cast %scan3A_346 : i32 to index
        %get3A_363 = arith.constant 48 : index
        %get3A_364 = tpu.vector_load %arg7[%get3A_362, %get3A_363] {strides = array<i32>} : memref<200x64xf32, #tpu.memory_space<vmem>>, vector<1x16xf32>,
        %get3A_365 = vector.shape_cast %get3A_364 : vector<1x16xf32> to vector<16xf32>
        %add3A_366 = arith.addf %add3A_344, %get3A_365 : vector<16xf32>
        %scan3A_367 = arith.constant 2 : i32
        %scan3A_368 = arith.addi %scan3A_321, %scan3A_367 : i32
        %get3A_369 = arith.index_cast %scan3A_368 : i32 to index
        %get3A_370 = arith.constant 0 : index
        %get3A_371 = tpu.vector_load %arg7[%get3A_369, %get3A_370] {strides = array<i32>} : memref<200x64xf32, #tpu.memory_space<vmem>>, vector<1x16xf32>,
        %get3A_372 = vector.shape_cast %get3A_371 : vector<1x16xf32> to vector<16xf32>
        %add3A_373 = arith.addf %add3A_351, %get3A_372 : vector<16xf32>
        %get3A_374 = arith.index_cast %scan3A_368 : i32 to index
        %get3A_375 = arith.constant 16 : index
        %get3A_376 = tpu.vector_load %arg7[%get3A_374, %get3A_375] {strides = array<i32>} : memref<200x64xf32, #tpu.memory_space<vmem>>, vector<1x16xf32>,
        %get3A_377 = vector.shape_cast %get3A_376 : vector<1x16xf32> to vector<16xf32>
        %add3A_378 = arith.addf %add3A_356, %get3A_377 : vector<16xf32>
        %get3A_379 = arith.index_cast %scan3A_368 : i32 to index
        %get3A_380 = arith.constant 32 : index
        %get3A_381 = tpu.vector_load %arg7[%get3A_379, %get3A_380] {strides = array<i32>} : memref<200x64xf32, #tpu.memory_space<vmem>>, vector<1x16xf32>,
        %get3A_382 = vector.shape_cast %get3A_381 : vector<1x16xf32> to vector<16xf32>
        %add3A_383 = arith.addf %add3A_361, %get3A_382 : vector<16xf32>
        %get3A_384 = arith.index_cast %scan3A_368 : i32 to index
        %get3A_385 = arith.constant 48 : index
        %get3A_386 = tpu.vector_load %arg7[%get3A_384, %get3A_385] {strides = array<i32>} : memref<200x64xf32, #tpu.memory_space<vmem>>, vector<1x16xf32>,
        %get3A_387 = vector.shape_cast %get3A_386 : vector<1x16xf32> to vector<16xf32>
        %add3A_388 = arith.addf %add3A_366, %get3A_387 : vector<16xf32>
        %scan3A_389 = arith.constant 3 : i32
        %scan3A_390 = arith.addi %scan3A_321, %scan3A_389 : i32
        %get3A_391 = arith.index_cast %scan3A_390 : i32 to index
        %get3A_392 = arith.constant 0 : index
        %get3A_393 = tpu.vector_load %arg7[%get3A_391, %get3A_392] {strides = array<i32>} : memref<200x64xf32, #tpu.memory_space<vmem>>, vector<1x16xf32>,
        %get3A_394 = vector.shape_cast %get3A_393 : vector<1x16xf32> to vector<16xf32>
        %add3A_395 = arith.addf %add3A_373, %get3A_394 : vector<16xf32>
        %get3A_396 = arith.index_cast %scan3A_390 : i32 to index
        %get3A_397 = arith.constant 16 : index
        %get3A_398 = tpu.vector_load %arg7[%get3A_396, %get3A_397] {strides = array<i32>} : memref<200x64xf32, #tpu.memory_space<vmem>>, vector<1x16xf32>,
        %get3A_399 = vector.shape_cast %get3A_398 : vector<1x16xf32> to vector<16xf32>
        %add3A_400 = arith.addf %add3A_378, %get3A_399 : vector<16xf32>
        %get3A_401 = arith.index_cast %scan3A_390 : i32 to index
        %get3A_402 = arith.constant 32 : index
        %get3A_403 = tpu.vector_load %arg7[%get3A_401, %get3A_402] {strides = array<i32>} : memref<200x64xf32, #tpu.memory_space<vmem>>, vector<1x16xf32>,
        %get3A_404 = vector.shape_cast %get3A_403 : vector<1x16xf32> to vector<16xf32>
        %add3A_405 = arith.addf %add3A_383, %get3A_404 : vector<16xf32>
        %get3A_406 = arith.index_cast %scan3A_390 : i32 to index
        %get3A_407 = arith.constant 48 : index
        %get3A_408 = tpu.vector_load %arg7[%get3A_406, %get3A_407] {strides = array<i32>} : memref<200x64xf32, #tpu.memory_space<vmem>>, vector<1x16xf32>,
        %get3A_409 = vector.shape_cast %get3A_408 : vector<1x16xf32> to vector<16xf32>
        %add3A_410 = arith.addf %add3A_388, %get3A_409 : vector<16xf32>
        %scan3A_411 = arith.constant 4 : i32
        %scan3A_412 = arith.addi %scan3A_321, %scan3A_411 : i32
        %get3A_413 = arith.index_cast %scan3A_412 : i32 to index
        %get3A_414 = arith.constant 0 : index
        %get3A_415 = tpu.vector_load %arg7[%get3A_413, %get3A_414] {strides = array<i32>} : memref<200x64xf32, #tpu.memory_space<vmem>>, vector<1x16xf32>,
        %get3A_416 = vector.shape_cast %get3A_415 : vector<1x16xf32> to vector<16xf32>
        %add3A_417 = arith.addf %add3A_395, %get3A_416 : vector<16xf32>
        %get3A_418 = arith.index_cast %scan3A_412 : i32 to index
        %get3A_419 = arith.constant 16 : index
        %get3A_420 = tpu.vector_load %arg7[%get3A_418, %get3A_419] {strides = array<i32>} : memref<200x64xf32, #tpu.memory_space<vmem>>, vector<1x16xf32>,
        %get3A_421 = vector.shape_cast %get3A_420 : vector<1x16xf32> to vector<16xf32>
        %add3A_422 = arith.addf %add3A_400, %get3A_421 : vector<16xf32>
        %get3A_423 = arith.index_cast %scan3A_412 : i32 to index
        %get3A_424 = arith.constant 32 : index
        %get3A_425 = tpu.vector_load %arg7[%get3A_423, %get3A_424] {strides = array<i32>} : memref<200x64xf32, #tpu.memory_space<vmem>>, vector<1x16xf32>,
        %get3A_426 = vector.shape_cast %get3A_425 : vector<1x16xf32> to vector<16xf32>
        %add3A_427 = arith.addf %add3A_405, %get3A_426 : vector<16xf32>
        %get3A_428 = arith.index_cast %scan3A_412 : i32 to index
        %get3A_429 = arith.constant 48 : index
        %get3A_430 = tpu.vector_load %arg7[%get3A_428, %get3A_429] {strides = array<i32>} : memref<200x64xf32, #tpu.memory_space<vmem>>, vector<1x16xf32>,
        %get3A_431 = vector.shape_cast %get3A_430 : vector<1x16xf32> to vector<16xf32>
        %add3A_432 = arith.addf %add3A_410, %get3A_431 : vector<16xf32>
        %scan3A_433 = arith.constant 5 : i32
        %scan3A_434 = arith.addi %scan3A_321, %scan3A_433 : i32
        %get3A_435 = arith.index_cast %scan3A_434 : i32 to index
        %get3A_436 = arith.constant 0 : index
        %get3A_437 = tpu.vector_load %arg7[%get3A_435, %get3A_436] {strides = array<i32>} : memref<200x64xf32, #tpu.memory_space<vmem>>, vector<1x16xf32>,
        %get3A_438 = vector.shape_cast %get3A_437 : vector<1x16xf32> to vector<16xf32>
        %add3A_439 = arith.addf %add3A_417, %get3A_438 : vector<16xf32>
        %get3A_440 = arith.index_cast %scan3A_434 : i32 to index
        %get3A_441 = arith.constant 16 : index
        %get3A_442 = tpu.vector_load %arg7[%get3A_440, %get3A_441] {strides = array<i32>} : memref<200x64xf32, #tpu.memory_space<vmem>>, vector<1x16xf32>,
        %get3A_443 = vector.shape_cast %get3A_442 : vector<1x16xf32> to vector<16xf32>
        %add3A_444 = arith.addf %add3A_422, %get3A_443 : vector<16xf32>
        %get3A_445 = arith.index_cast %scan3A_434 : i32 to index
        %get3A_446 = arith.constant 32 : index
        %get3A_447 = tpu.vector_load %arg7[%get3A_445, %get3A_446] {strides = array<i32>} : memref<200x64xf32, #tpu.memory_space<vmem>>, vector<1x16xf32>,
        %get3A_448 = vector.shape_cast %get3A_447 : vector<1x16xf32> to vector<16xf32>
        %add3A_449 = arith.addf %add3A_427, %get3A_448 : vector<16xf32>
        %get3A_450 = arith.index_cast %scan3A_434 : i32 to index
        %get3A_451 = arith.constant 48 : index
        %get3A_452 = tpu.vector_load %arg7[%get3A_450, %get3A_451] {strides = array<i32>} : memref<200x64xf32, #tpu.memory_space<vmem>>, vector<1x16xf32>,
        %get3A_453 = vector.shape_cast %get3A_452 : vector<1x16xf32> to vector<16xf32>
        %add3A_454 = arith.addf %add3A_432, %get3A_453 : vector<16xf32>
        %scan3A_455 = arith.constant 6 : i32
        %scan3A_456 = arith.addi %scan3A_321, %scan3A_455 : i32
        %get3A_457 = arith.index_cast %scan3A_456 : i32 to index
        %get3A_458 = arith.constant 0 : index
        %get3A_459 = tpu.vector_load %arg7[%get3A_457, %get3A_458] {strides = array<i32>} : memref<200x64xf32, #tpu.memory_space<vmem>>, vector<1x16xf32>,
        %get3A_460 = vector.shape_cast %get3A_459 : vector<1x16xf32> to vector<16xf32>
        %add3A_461 = arith.addf %add3A_439, %get3A_460 : vector<16xf32>
        %get3A_462 = arith.index_cast %scan3A_456 : i32 to index
        %get3A_463 = arith.constant 16 : index
        %get3A_464 = tpu.vector_load %arg7[%get3A_462, %get3A_463] {strides = array<i32>} : memref<200x64xf32, #tpu.memory_space<vmem>>, vector<1x16xf32>,
        %get3A_465 = vector.shape_cast %get3A_464 : vector<1x16xf32> to vector<16xf32>
        %add3A_466 = arith.addf %add3A_444, %get3A_465 : vector<16xf32>
        %get3A_467 = arith.index_cast %scan3A_456 : i32 to index
        %get3A_468 = arith.constant 32 : index
        %get3A_469 = tpu.vector_load %arg7[%get3A_467, %get3A_468] {strides = array<i32>} : memref<200x64xf32, #tpu.memory_space<vmem>>, vector<1x16xf32>,
        %get3A_470 = vector.shape_cast %get3A_469 : vector<1x16xf32> to vector<16xf32>
        %add3A_471 = arith.addf %add3A_449, %get3A_470 : vector<16xf32>
        %get3A_472 = arith.index_cast %scan3A_456 : i32 to index
        %get3A_473 = arith.constant 48 : index
        %get3A_474 = tpu.vector_load %arg7[%get3A_472, %get3A_473] {strides = array<i32>} : memref<200x64xf32, #tpu.memory_space<vmem>>, vector<1x16xf32>,
        %get3A_475 = vector.shape_cast %get3A_474 : vector<1x16xf32> to vector<16xf32>
        %add3A_476 = arith.addf %add3A_454, %get3A_475 : vector<16xf32>
        %scan3A_477 = arith.constant 7 : i32
        %scan3A_478 = arith.addi %scan3A_321, %scan3A_477 : i32
        %get3A_479 = arith.index_cast %scan3A_478 : i32 to index
        %get3A_480 = arith.constant 0 : index
        %get3A_481 = tpu.vector_load %arg7[%get3A_479, %get3A_480] {strides = array<i32>} : memref<200x64xf32, #tpu.memory_space<vmem>>, vector<1x16xf32>,
        %get3A_482 = vector.shape_cast %get3A_481 : vector<1x16xf32> to vector<16xf32>
        %add3A_483 = arith.addf %add3A_461, %get3A_482 : vector<16xf32>
        %get3A_484 = arith.index_cast %scan3A_478 : i32 to index
        %get3A_485 = arith.constant 16 : index
        %get3A_486 = tpu.vector_load %arg7[%get3A_484, %get3A_485] {strides = array<i32>} : memref<200x64xf32, #tpu.memory_space<vmem>>, vector<1x16xf32>,
        %get3A_487 = vector.shape_cast %get3A_486 : vector<1x16xf32> to vector<16xf32>
        %add3A_488 = arith.addf %add3A_466, %get3A_487 : vector<16xf32>
        %get3A_489 = arith.index_cast %scan3A_478 : i32 to index
        %get3A_490 = arith.constant 32 : index
        %get3A_491 = tpu.vector_load %arg7[%get3A_489, %get3A_490] {strides = array<i32>} : memref<200x64xf32, #tpu.memory_space<vmem>>, vector<1x16xf32>,
        %get3A_492 = vector.shape_cast %get3A_491 : vector<1x16xf32> to vector<16xf32>
        %add3A_493 = arith.addf %add3A_471, %get3A_492 : vector<16xf32>
        %get3A_494 = arith.index_cast %scan3A_478 : i32 to index
        %get3A_495 = arith.constant 48 : index
        %get3A_496 = tpu.vector_load %arg7[%get3A_494, %get3A_495] {strides = array<i32>} : memref<200x64xf32, #tpu.memory_space<vmem>>, vector<1x16xf32>,
        %get3A_497 = vector.shape_cast %get3A_496 : vector<1x16xf32> to vector<16xf32>
        %add3A_498 = arith.addf %add3A_476, %get3A_497 : vector<16xf32>
        scf.yield %add3A_483, %add3A_488, %add3A_493, %add3A_498 : vector<16xf32>, vector<16xf32>, vector<16xf32>, vector<16xf32>
      }
      %scan3A_178 = arith.constant 200 : i32
      %swap3A_179 = arith.index_cast %add3A_141 : i32 to index
      %swap3A_180 = arith.constant 0 : index
      %swap3A_181 = tpu.vector_load %arg10[%swap3A_179, %swap3A_180] {strides = array<i32>} : memref<128x64xf32, #tpu.memory_space<vmem>>, vector<1x16xf32>,
      %swap3A_182 = vector.shape_cast %swap3A_181 : vector<1x16xf32> to vector<16xf32>
      %swap3A_183 = vector.shape_cast %scan3A_177#0 : vector<16xf32> to vector<1x16xf32>
      tpu.vector_store %arg10[%swap3A_179, %swap3A_180], %swap3A_183 {strides = array<i32>} : memref<128x64xf32, #tpu.memory_space<vmem>>, vector<1x16xf32>,
      %swap3A_184 = arith.index_cast %add3A_141 : i32 to index
      %swap3A_185 = arith.constant 16 : index
      %swap3A_186 = tpu.vector_load %arg10[%swap3A_184, %swap3A_185] {strides = array<i32>} : memref<128x64xf32, #tpu.memory_space<vmem>>, vector<1x16xf32>,
      %swap3A_187 = vector.shape_cast %swap3A_186 : vector<1x16xf32> to vector<16xf32>
      %swap3A_188 = vector.shape_cast %scan3A_177#1 : vector<16xf32> to vector<1x16xf32>
      tpu.vector_store %arg10[%swap3A_184, %swap3A_185], %swap3A_188 {strides = array<i32>} : memref<128x64xf32, #tpu.memory_space<vmem>>, vector<1x16xf32>,
      %swap3A_189 = arith.index_cast %add3A_141 : i32 to index
      %swap3A_190 = arith.constant 32 : index
      %swap3A_191 = tpu.vector_load %arg10[%swap3A_189, %swap3A_190] {strides = array<i32>} : memref<128x64xf32, #tpu.memory_space<vmem>>, vector<1x16xf32>,
      %swap3A_192 = vector.shape_cast %swap3A_191 : vector<1x16xf32> to vector<16xf32>
      %swap3A_193 = vector.shape_cast %scan3A_177#2 : vector<16xf32> to vector<1x16xf32>
      tpu.vector_store %arg10[%swap3A_189, %swap3A_190], %swap3A_193 {strides = array<i32>} : memref<128x64xf32, #tpu.memory_space<vmem>>, vector<1x16xf32>,
      %swap3A_194 = arith.index_cast %add3A_141 : i32 to index
      %swap3A_195 = arith.constant 48 : index
      %swap3A_196 = tpu.vector_load %arg10[%swap3A_194, %swap3A_195] {strides = array<i32>} : memref<128x64xf32, #tpu.memory_space<vmem>>, vector<1x16xf32>,
      %swap3A_197 = vector.shape_cast %swap3A_196 : vector<1x16xf32> to vector<16xf32>
      %swap3A_198 = vector.shape_cast %scan3A_177#3 : vector<16xf32> to vector<1x16xf32>
      tpu.vector_store %arg10[%swap3A_194, %swap3A_195], %swap3A_198 {strides = array<i32>} : memref<128x64xf32, #tpu.memory_space<vmem>>, vector<1x16xf32>,
      %mul3A_199 = arith.constant 4 : i32
      %mul3A_200 = arith.muli %scan3A_82, %mul3A_199 : i32
      %add3A_201 = arith.constant 2 : i32
      %add3A_202 = arith.addi %mul3A_200, %add3A_201 : i32
      %dma_wait3A_203 = arith.constant 0 : i32
      %dma_wait3A_204 = arith.constant 0 : i32
      %dma_wait3A_205 = tpu.memref_slice %arg8[%dma_wait3A_203, %dma_wait3A_204] : memref<200x64xf32, #tpu.memory_space<vmem>> -> memref<128x64xf32, #tpu.memory_space<vmem>>
      %dma_wait3A_206 = arith.constant 0 : i32
      %dma_wait3A_207 = tpu.memref_slice %arg5[%dma_wait3A_206] : memref<25600xi32, #tpu.memory_space<vmem>> -> memref<128xi32, #tpu.memory_space<vmem>>
      %dma_wait3A_208 = arith.constant 0 : i32
      %dma_wait3A_209 = arith.constant 0 : i32
      %dma_wait3A_210 = tpu.memref_slice %arg3[%dma_wait3A_208, %dma_wait3A_209] : memref<1000000x64xf32, #tpu.memory_space<hbm>> -> memref<1000000x64xf32, #tpu.memory_space<hbm>>
      tpu.wait_indirect_dma semaphore(%arg13 : memref<!tpu.dma_semaphore, #tpu.memory_space<semaphore_mem>>) src(%dma_wait3A_210 : memref<1000000x64xf32, #tpu.memory_space<hbm>>) dst(%dma_wait3A_205 : memref<128x64xf32, #tpu.memory_space<vmem>>)
      %dma_wait3A_211 = arith.constant 128 : i32
      %dma_wait3A_212 = arith.constant 0 : i32
      %dma_wait3A_213 = tpu.memref_slice %arg8[%dma_wait3A_211, %dma_wait3A_212] : memref<200x64xf32, #tpu.memory_space<vmem>> -> memref<72x64xf32, #tpu.memory_space<vmem>>
      %dma_wait3A_214 = arith.constant 0 : i32
      %dma_wait3A_215 = tpu.memref_slice %arg5[%dma_wait3A_214] : memref<25600xi32, #tpu.memory_space<vmem>> -> memref<72xi32, #tpu.memory_space<vmem>>
      %dma_wait3A_216 = arith.constant 0 : i32
      %dma_wait3A_217 = arith.constant 0 : i32
      %dma_wait3A_218 = tpu.memref_slice %arg3[%dma_wait3A_216, %dma_wait3A_217] : memref<1000000x64xf32, #tpu.memory_space<hbm>> -> memref<1000000x64xf32, #tpu.memory_space<hbm>>
      tpu.wait_indirect_dma semaphore(%arg13 : memref<!tpu.dma_semaphore, #tpu.memory_space<semaphore_mem>>) src(%dma_wait3A_218 : memref<1000000x64xf32, #tpu.memory_space<hbm>>) dst(%dma_wait3A_213 : memref<72x64xf32, #tpu.memory_space<vmem>>)
      %add3A_219 = arith.constant 4 : i32
      %add3A_220 = arith.addi %add3A_202, %add3A_219 : i32
      %lt3A_221 = arith.constant 128 : i32
      %lt3A_222 = arith.cmpi slt, %add3A_220, %lt3A_221 : i32
      %convert_element_type3A_223 = arith.extui %lt3A_222 : i1 to i32
      %cond3A_224 = arith.constant 0 : i32
      %cond3A_225 = arith.cmpi ne, %convert_element_type3A_223, %cond3A_224 : i32
      scf.if %cond3A_225 {
        %add3A_321 = arith.constant 4 : i32
        %add3A_322 = arith.addi %add3A_202, %add3A_321 : i32
        %mul3A_323 = arith.constant 200 : i32
        %mul3A_324 = arith.muli %add3A_322, %mul3A_323 : i32
        %multiple_of3A_325 = tpu.assume_multiple %mul3A_324, 8 : i32
        %dma_start3A_326 = arith.constant 0 : i32
        %dma_start3A_327 = arith.constant 0 : i32
        %dma_start3A_328 = tpu.memref_slice %arg8[%dma_start3A_326, %dma_start3A_327] : memref<200x64xf32, #tpu.memory_space<vmem>> -> memref<128x64xf32, #tpu.memory_space<vmem>>
        %dma_start3A_329 = tpu.memref_slice %arg5[%multiple_of3A_325] : memref<25600xi32, #tpu.memory_space<vmem>> -> memref<128xi32, #tpu.memory_space<vmem>>
        %dma_start3A_330 = arith.constant 0 : i32
        %dma_start3A_331 = arith.constant 0 : i32
        %dma_start3A_332 = tpu.memref_slice %arg3[%dma_start3A_330, %dma_start3A_331] : memref<1000000x64xf32, #tpu.memory_space<hbm>> -> memref<1000000x64xf32, #tpu.memory_space<hbm>>
        tpu.enqueue_indirect_dma source(%dma_start3A_332 : memref<1000000x64xf32, #tpu.memory_space<hbm>>) target(%dma_start3A_328 : memref<128x64xf32, #tpu.memory_space<vmem>>) offsets(%dma_start3A_329 : memref<128xi32, #tpu.memory_space<vmem>>) semaphore(%arg13 : memref<!tpu.dma_semaphore, #tpu.memory_space<semaphore_mem>>)
        %add3A_333 = arith.constant 128 : i32
        %add3A_334 = arith.addi %multiple_of3A_325, %add3A_333 : i32
        %dma_start3A_335 = arith.constant 128 : i32
        %dma_start3A_336 = arith.constant 0 : i32
        %dma_start3A_337 = tpu.memref_slice %arg8[%dma_start3A_335, %dma_start3A_336] : memref<200x64xf32, #tpu.memory_space<vmem>> -> memref<72x64xf32, #tpu.memory_space<vmem>>
        %dma_start3A_338 = tpu.memref_slice %arg5[%add3A_334] : memref<25600xi32, #tpu.memory_space<vmem>> -> memref<72xi32, #tpu.memory_space<vmem>>
        %dma_start3A_339 = arith.constant 0 : i32
        %dma_start3A_340 = arith.constant 0 : i32
        %dma_start3A_341 = tpu.memref_slice %arg3[%dma_start3A_339, %dma_start3A_340] : memref<1000000x64xf32, #tpu.memory_space<hbm>> -> memref<1000000x64xf32, #tpu.memory_space<hbm>>
        tpu.enqueue_indirect_dma source(%dma_start3A_341 : memref<1000000x64xf32, #tpu.memory_space<hbm>>) target(%dma_start3A_337 : memref<72x64xf32, #tpu.memory_space<vmem>>) offsets(%dma_start3A_338 : memref<72xi32, #tpu.memory_space<vmem>>) semaphore(%arg13 : memref<!tpu.dma_semaphore, #tpu.memory_space<semaphore_mem>>)
      } else {
      }
      %broadcast_in_dim3A_226 = arith.constant 0.000000e+00 : f32
      %broadcast_in_dim3A_227 = vector.broadcast %broadcast_in_dim3A_226 : f32 to vector<16xf32>
      %broadcast_in_dim3A_228 = arith.constant 0.000000e+00 : f32
      %broadcast_in_dim3A_229 = vector.broadcast %broadcast_in_dim3A_228 : f32 to vector<16xf32>
      %broadcast_in_dim3A_230 = arith.constant 0.000000e+00 : f32
      %broadcast_in_dim3A_231 = vector.broadcast %broadcast_in_dim3A_230 : f32 to vector<16xf32>
      %broadcast_in_dim3A_232 = arith.constant 0.000000e+00 : f32
      %broadcast_in_dim3A_233 = vector.broadcast %broadcast_in_dim3A_232 : f32 to vector<16xf32>
      %scan3A_234 = arith.constant 0 : i32
      %scan3A_235 = arith.constant 200 : i32
      %scan3A_236 = arith.addi %scan3A_234, %scan3A_235 : i32
      %scan3A_237 = arith.constant 8 : i32
      %scan3A_238:4 = scf.for %scan3A_321 = %scan3A_234 to %scan3A_236 step %scan3A_237 iter_args(%scan3A_322 = %broadcast_in_dim3A_227, %scan3A_323 = %broadcast_in_dim3A_229, %scan3A_324 = %broadcast_in_dim3A_231, %scan3A_325 = %broadcast_in_dim3A_233) -> (vector<16xf32>, vector<16xf32>, vector<16xf32>, vector<16xf32>)  : i32 {
        %get3A = arith.index_cast %scan3A_321 : i32 to index
        %get3A_326 = arith.constant 0 : index
        %get3A_327 = tpu.vector_load %arg8[%get3A, %get3A_326] {strides = array<i32>} : memref<200x64xf32, #tpu.memory_space<vmem>>, vector<1x16xf32>,
        %get3A_328 = vector.shape_cast %get3A_327 : vector<1x16xf32> to vector<16xf32>
        %add3A_329 = arith.addf %scan3A_322, %get3A_328 : vector<16xf32>
        %get3A_330 = arith.index_cast %scan3A_321 : i32 to index
        %get3A_331 = arith.constant 16 : index
        %get3A_332 = tpu.vector_load %arg8[%get3A_330, %get3A_331] {strides = array<i32>} : memref<200x64xf32, #tpu.memory_space<vmem>>, vector<1x16xf32>,
        %get3A_333 = vector.shape_cast %get3A_332 : vector<1x16xf32> to vector<16xf32>
        %add3A_334 = arith.addf %scan3A_323, %get3A_333 : vector<16xf32>
        %get3A_335 = arith.index_cast %scan3A_321 : i32 to index
        %get3A_336 = arith.constant 32 : index
        %get3A_337 = tpu.vector_load %arg8[%get3A_335, %get3A_336] {strides = array<i32>} : memref<200x64xf32, #tpu.memory_space<vmem>>, vector<1x16xf32>,
        %get3A_338 = vector.shape_cast %get3A_337 : vector<1x16xf32> to vector<16xf32>
        %add3A_339 = arith.addf %scan3A_324, %get3A_338 : vector<16xf32>
        %get3A_340 = arith.index_cast %scan3A_321 : i32 to index
        %get3A_341 = arith.constant 48 : index
        %get3A_342 = tpu.vector_load %arg8[%get3A_340, %get3A_341] {strides = array<i32>} : memref<200x64xf32, #tpu.memory_space<vmem>>, vector<1x16xf32>,
        %get3A_343 = vector.shape_cast %get3A_342 : vector<1x16xf32> to vector<16xf32>
        %add3A_344 = arith.addf %scan3A_325, %get3A_343 : vector<16xf32>
        %scan3A_345 = arith.constant 1 : i32
        %scan3A_346 = arith.addi %scan3A_321, %scan3A_345 : i32
        %get3A_347 = arith.index_cast %scan3A_346 : i32 to index
        %get3A_348 = arith.constant 0 : index
        %get3A_349 = tpu.vector_load %arg8[%get3A_347, %get3A_348] {strides = array<i32>} : memref<200x64xf32, #tpu.memory_space<vmem>>, vector<1x16xf32>,
        %get3A_350 = vector.shape_cast %get3A_349 : vector<1x16xf32> to vector<16xf32>
        %add3A_351 = arith.addf %add3A_329, %get3A_350 : vector<16xf32>
        %get3A_352 = arith.index_cast %scan3A_346 : i32 to index
        %get3A_353 = arith.constant 16 : index
        %get3A_354 = tpu.vector_load %arg8[%get3A_352, %get3A_353] {strides = array<i32>} : memref<200x64xf32, #tpu.memory_space<vmem>>, vector<1x16xf32>,
        %get3A_355 = vector.shape_cast %get3A_354 : vector<1x16xf32> to vector<16xf32>
        %add3A_356 = arith.addf %add3A_334, %get3A_355 : vector<16xf32>
        %get3A_357 = arith.index_cast %scan3A_346 : i32 to index
        %get3A_358 = arith.constant 32 : index
        %get3A_359 = tpu.vector_load %arg8[%get3A_357, %get3A_358] {strides = array<i32>} : memref<200x64xf32, #tpu.memory_space<vmem>>, vector<1x16xf32>,
        %get3A_360 = vector.shape_cast %get3A_359 : vector<1x16xf32> to vector<16xf32>
        %add3A_361 = arith.addf %add3A_339, %get3A_360 : vector<16xf32>
        %get3A_362 = arith.index_cast %scan3A_346 : i32 to index
        %get3A_363 = arith.constant 48 : index
        %get3A_364 = tpu.vector_load %arg8[%get3A_362, %get3A_363] {strides = array<i32>} : memref<200x64xf32, #tpu.memory_space<vmem>>, vector<1x16xf32>,
        %get3A_365 = vector.shape_cast %get3A_364 : vector<1x16xf32> to vector<16xf32>
        %add3A_366 = arith.addf %add3A_344, %get3A_365 : vector<16xf32>
        %scan3A_367 = arith.constant 2 : i32
        %scan3A_368 = arith.addi %scan3A_321, %scan3A_367 : i32
        %get3A_369 = arith.index_cast %scan3A_368 : i32 to index
        %get3A_370 = arith.constant 0 : index
        %get3A_371 = tpu.vector_load %arg8[%get3A_369, %get3A_370] {strides = array<i32>} : memref<200x64xf32, #tpu.memory_space<vmem>>, vector<1x16xf32>,
        %get3A_372 = vector.shape_cast %get3A_371 : vector<1x16xf32> to vector<16xf32>
        %add3A_373 = arith.addf %add3A_351, %get3A_372 : vector<16xf32>
        %get3A_374 = arith.index_cast %scan3A_368 : i32 to index
        %get3A_375 = arith.constant 16 : index
        %get3A_376 = tpu.vector_load %arg8[%get3A_374, %get3A_375] {strides = array<i32>} : memref<200x64xf32, #tpu.memory_space<vmem>>, vector<1x16xf32>,
        %get3A_377 = vector.shape_cast %get3A_376 : vector<1x16xf32> to vector<16xf32>
        %add3A_378 = arith.addf %add3A_356, %get3A_377 : vector<16xf32>
        %get3A_379 = arith.index_cast %scan3A_368 : i32 to index
        %get3A_380 = arith.constant 32 : index
        %get3A_381 = tpu.vector_load %arg8[%get3A_379, %get3A_380] {strides = array<i32>} : memref<200x64xf32, #tpu.memory_space<vmem>>, vector<1x16xf32>,
        %get3A_382 = vector.shape_cast %get3A_381 : vector<1x16xf32> to vector<16xf32>
        %add3A_383 = arith.addf %add3A_361, %get3A_382 : vector<16xf32>
        %get3A_384 = arith.index_cast %scan3A_368 : i32 to index
        %get3A_385 = arith.constant 48 : index
        %get3A_386 = tpu.vector_load %arg8[%get3A_384, %get3A_385] {strides = array<i32>} : memref<200x64xf32, #tpu.memory_space<vmem>>, vector<1x16xf32>,
        %get3A_387 = vector.shape_cast %get3A_386 : vector<1x16xf32> to vector<16xf32>
        %add3A_388 = arith.addf %add3A_366, %get3A_387 : vector<16xf32>
        %scan3A_389 = arith.constant 3 : i32
        %scan3A_390 = arith.addi %scan3A_321, %scan3A_389 : i32
        %get3A_391 = arith.index_cast %scan3A_390 : i32 to index
        %get3A_392 = arith.constant 0 : index
        %get3A_393 = tpu.vector_load %arg8[%get3A_391, %get3A_392] {strides = array<i32>} : memref<200x64xf32, #tpu.memory_space<vmem>>, vector<1x16xf32>,
        %get3A_394 = vector.shape_cast %get3A_393 : vector<1x16xf32> to vector<16xf32>
        %add3A_395 = arith.addf %add3A_373, %get3A_394 : vector<16xf32>
        %get3A_396 = arith.index_cast %scan3A_390 : i32 to index
        %get3A_397 = arith.constant 16 : index
        %get3A_398 = tpu.vector_load %arg8[%get3A_396, %get3A_397] {strides = array<i32>} : memref<200x64xf32, #tpu.memory_space<vmem>>, vector<1x16xf32>,
        %get3A_399 = vector.shape_cast %get3A_398 : vector<1x16xf32> to vector<16xf32>
        %add3A_400 = arith.addf %add3A_378, %get3A_399 : vector<16xf32>
        %get3A_401 = arith.index_cast %scan3A_390 : i32 to index
        %get3A_402 = arith.constant 32 : index
        %get3A_403 = tpu.vector_load %arg8[%get3A_401, %get3A_402] {strides = array<i32>} : memref<200x64xf32, #tpu.memory_space<vmem>>, vector<1x16xf32>,
        %get3A_404 = vector.shape_cast %get3A_403 : vector<1x16xf32> to vector<16xf32>
        %add3A_405 = arith.addf %add3A_383, %get3A_404 : vector<16xf32>
        %get3A_406 = arith.index_cast %scan3A_390 : i32 to index
        %get3A_407 = arith.constant 48 : index
        %get3A_408 = tpu.vector_load %arg8[%get3A_406, %get3A_407] {strides = array<i32>} : memref<200x64xf32, #tpu.memory_space<vmem>>, vector<1x16xf32>,
        %get3A_409 = vector.shape_cast %get3A_408 : vector<1x16xf32> to vector<16xf32>
        %add3A_410 = arith.addf %add3A_388, %get3A_409 : vector<16xf32>
        %scan3A_411 = arith.constant 4 : i32
        %scan3A_412 = arith.addi %scan3A_321, %scan3A_411 : i32
        %get3A_413 = arith.index_cast %scan3A_412 : i32 to index
        %get3A_414 = arith.constant 0 : index
        %get3A_415 = tpu.vector_load %arg8[%get3A_413, %get3A_414] {strides = array<i32>} : memref<200x64xf32, #tpu.memory_space<vmem>>, vector<1x16xf32>,
        %get3A_416 = vector.shape_cast %get3A_415 : vector<1x16xf32> to vector<16xf32>
        %add3A_417 = arith.addf %add3A_395, %get3A_416 : vector<16xf32>
        %get3A_418 = arith.index_cast %scan3A_412 : i32 to index
        %get3A_419 = arith.constant 16 : index
        %get3A_420 = tpu.vector_load %arg8[%get3A_418, %get3A_419] {strides = array<i32>} : memref<200x64xf32, #tpu.memory_space<vmem>>, vector<1x16xf32>,
        %get3A_421 = vector.shape_cast %get3A_420 : vector<1x16xf32> to vector<16xf32>
        %add3A_422 = arith.addf %add3A_400, %get3A_421 : vector<16xf32>
        %get3A_423 = arith.index_cast %scan3A_412 : i32 to index
        %get3A_424 = arith.constant 32 : index
        %get3A_425 = tpu.vector_load %arg8[%get3A_423, %get3A_424] {strides = array<i32>} : memref<200x64xf32, #tpu.memory_space<vmem>>, vector<1x16xf32>,
        %get3A_426 = vector.shape_cast %get3A_425 : vector<1x16xf32> to vector<16xf32>
        %add3A_427 = arith.addf %add3A_405, %get3A_426 : vector<16xf32>
        %get3A_428 = arith.index_cast %scan3A_412 : i32 to index
        %get3A_429 = arith.constant 48 : index
        %get3A_430 = tpu.vector_load %arg8[%get3A_428, %get3A_429] {strides = array<i32>} : memref<200x64xf32, #tpu.memory_space<vmem>>, vector<1x16xf32>,
        %get3A_431 = vector.shape_cast %get3A_430 : vector<1x16xf32> to vector<16xf32>
        %add3A_432 = arith.addf %add3A_410, %get3A_431 : vector<16xf32>
        %scan3A_433 = arith.constant 5 : i32
        %scan3A_434 = arith.addi %scan3A_321, %scan3A_433 : i32
        %get3A_435 = arith.index_cast %scan3A_434 : i32 to index
        %get3A_436 = arith.constant 0 : index
        %get3A_437 = tpu.vector_load %arg8[%get3A_435, %get3A_436] {strides = array<i32>} : memref<200x64xf32, #tpu.memory_space<vmem>>, vector<1x16xf32>,
        %get3A_438 = vector.shape_cast %get3A_437 : vector<1x16xf32> to vector<16xf32>
        %add3A_439 = arith.addf %add3A_417, %get3A_438 : vector<16xf32>
        %get3A_440 = arith.index_cast %scan3A_434 : i32 to index
        %get3A_441 = arith.constant 16 : index
        %get3A_442 = tpu.vector_load %arg8[%get3A_440, %get3A_441] {strides = array<i32>} : memref<200x64xf32, #tpu.memory_space<vmem>>, vector<1x16xf32>,
        %get3A_443 = vector.shape_cast %get3A_442 : vector<1x16xf32> to vector<16xf32>
        %add3A_444 = arith.addf %add3A_422, %get3A_443 : vector<16xf32>
        %get3A_445 = arith.index_cast %scan3A_434 : i32 to index
        %get3A_446 = arith.constant 32 : index
        %get3A_447 = tpu.vector_load %arg8[%get3A_445, %get3A_446] {strides = array<i32>} : memref<200x64xf32, #tpu.memory_space<vmem>>, vector<1x16xf32>,
        %get3A_448 = vector.shape_cast %get3A_447 : vector<1x16xf32> to vector<16xf32>
        %add3A_449 = arith.addf %add3A_427, %get3A_448 : vector<16xf32>
        %get3A_450 = arith.index_cast %scan3A_434 : i32 to index
        %get3A_451 = arith.constant 48 : index
        %get3A_452 = tpu.vector_load %arg8[%get3A_450, %get3A_451] {strides = array<i32>} : memref<200x64xf32, #tpu.memory_space<vmem>>, vector<1x16xf32>,
        %get3A_453 = vector.shape_cast %get3A_452 : vector<1x16xf32> to vector<16xf32>
        %add3A_454 = arith.addf %add3A_432, %get3A_453 : vector<16xf32>
        %scan3A_455 = arith.constant 6 : i32
        %scan3A_456 = arith.addi %scan3A_321, %scan3A_455 : i32
        %get3A_457 = arith.index_cast %scan3A_456 : i32 to index
        %get3A_458 = arith.constant 0 : index
        %get3A_459 = tpu.vector_load %arg8[%get3A_457, %get3A_458] {strides = array<i32>} : memref<200x64xf32, #tpu.memory_space<vmem>>, vector<1x16xf32>,
        %get3A_460 = vector.shape_cast %get3A_459 : vector<1x16xf32> to vector<16xf32>
        %add3A_461 = arith.addf %add3A_439, %get3A_460 : vector<16xf32>
        %get3A_462 = arith.index_cast %scan3A_456 : i32 to index
        %get3A_463 = arith.constant 16 : index
        %get3A_464 = tpu.vector_load %arg8[%get3A_462, %get3A_463] {strides = array<i32>} : memref<200x64xf32, #tpu.memory_space<vmem>>, vector<1x16xf32>,
        %get3A_465 = vector.shape_cast %get3A_464 : vector<1x16xf32> to vector<16xf32>
        %add3A_466 = arith.addf %add3A_444, %get3A_465 : vector<16xf32>
        %get3A_467 = arith.index_cast %scan3A_456 : i32 to index
        %get3A_468 = arith.constant 32 : index
        %get3A_469 = tpu.vector_load %arg8[%get3A_467, %get3A_468] {strides = array<i32>} : memref<200x64xf32, #tpu.memory_space<vmem>>, vector<1x16xf32>,
        %get3A_470 = vector.shape_cast %get3A_469 : vector<1x16xf32> to vector<16xf32>
        %add3A_471 = arith.addf %add3A_449, %get3A_470 : vector<16xf32>
        %get3A_472 = arith.index_cast %scan3A_456 : i32 to index
        %get3A_473 = arith.constant 48 : index
        %get3A_474 = tpu.vector_load %arg8[%get3A_472, %get3A_473] {strides = array<i32>} : memref<200x64xf32, #tpu.memory_space<vmem>>, vector<1x16xf32>,
        %get3A_475 = vector.shape_cast %get3A_474 : vector<1x16xf32> to vector<16xf32>
        %add3A_476 = arith.addf %add3A_454, %get3A_475 : vector<16xf32>
        %scan3A_477 = arith.constant 7 : i32
        %scan3A_478 = arith.addi %scan3A_321, %scan3A_477 : i32
        %get3A_479 = arith.index_cast %scan3A_478 : i32 to index
        %get3A_480 = arith.constant 0 : index
        %get3A_481 = tpu.vector_load %arg8[%get3A_479, %get3A_480] {strides = array<i32>} : memref<200x64xf32, #tpu.memory_space<vmem>>, vector<1x16xf32>,
        %get3A_482 = vector.shape_cast %get3A_481 : vector<1x16xf32> to vector<16xf32>
        %add3A_483 = arith.addf %add3A_461, %get3A_482 : vector<16xf32>
        %get3A_484 = arith.index_cast %scan3A_478 : i32 to index
        %get3A_485 = arith.constant 16 : index
        %get3A_486 = tpu.vector_load %arg8[%get3A_484, %get3A_485] {strides = array<i32>} : memref<200x64xf32, #tpu.memory_space<vmem>>, vector<1x16xf32>,
        %get3A_487 = vector.shape_cast %get3A_486 : vector<1x16xf32> to vector<16xf32>
        %add3A_488 = arith.addf %add3A_466, %get3A_487 : vector<16xf32>
        %get3A_489 = arith.index_cast %scan3A_478 : i32 to index
        %get3A_490 = arith.constant 32 : index
        %get3A_491 = tpu.vector_load %arg8[%get3A_489, %get3A_490] {strides = array<i32>} : memref<200x64xf32, #tpu.memory_space<vmem>>, vector<1x16xf32>,
        %get3A_492 = vector.shape_cast %get3A_491 : vector<1x16xf32> to vector<16xf32>
        %add3A_493 = arith.addf %add3A_471, %get3A_492 : vector<16xf32>
        %get3A_494 = arith.index_cast %scan3A_478 : i32 to index
        %get3A_495 = arith.constant 48 : index
        %get3A_496 = tpu.vector_load %arg8[%get3A_494, %get3A_495] {strides = array<i32>} : memref<200x64xf32, #tpu.memory_space<vmem>>, vector<1x16xf32>,
        %get3A_497 = vector.shape_cast %get3A_496 : vector<1x16xf32> to vector<16xf32>
        %add3A_498 = arith.addf %add3A_476, %get3A_497 : vector<16xf32>
        scf.yield %add3A_483, %add3A_488, %add3A_493, %add3A_498 : vector<16xf32>, vector<16xf32>, vector<16xf32>, vector<16xf32>
      }
      %scan3A_239 = arith.constant 200 : i32
      %swap3A_240 = arith.index_cast %add3A_202 : i32 to index
      %swap3A_241 = arith.constant 0 : index
      %swap3A_242 = tpu.vector_load %arg10[%swap3A_240, %swap3A_241] {strides = array<i32>} : memref<128x64xf32, #tpu.memory_space<vmem>>, vector<1x16xf32>,
      %swap3A_243 = vector.shape_cast %swap3A_242 : vector<1x16xf32> to vector<16xf32>
      %swap3A_244 = vector.shape_cast %scan3A_238#0 : vector<16xf32> to vector<1x16xf32>
      tpu.vector_store %arg10[%swap3A_240, %swap3A_241], %swap3A_244 {strides = array<i32>} : memref<128x64xf32, #tpu.memory_space<vmem>>, vector<1x16xf32>,
      %swap3A_245 = arith.index_cast %add3A_202 : i32 to index
      %swap3A_246 = arith.constant 16 : index
      %swap3A_247 = tpu.vector_load %arg10[%swap3A_245, %swap3A_246] {strides = array<i32>} : memref<128x64xf32, #tpu.memory_space<vmem>>, vector<1x16xf32>,
      %swap3A_248 = vector.shape_cast %swap3A_247 : vector<1x16xf32> to vector<16xf32>
      %swap3A_249 = vector.shape_cast %scan3A_238#1 : vector<16xf32> to vector<1x16xf32>
      tpu.vector_store %arg10[%swap3A_245, %swap3A_246], %swap3A_249 {strides = array<i32>} : memref<128x64xf32, #tpu.memory_space<vmem>>, vector<1x16xf32>,
      %swap3A_250 = arith.index_cast %add3A_202 : i32 to index
      %swap3A_251 = arith.constant 32 : index
      %swap3A_252 = tpu.vector_load %arg10[%swap3A_250, %swap3A_251] {strides = array<i32>} : memref<128x64xf32, #tpu.memory_space<vmem>>, vector<1x16xf32>,
      %swap3A_253 = vector.shape_cast %swap3A_252 : vector<1x16xf32> to vector<16xf32>
      %swap3A_254 = vector.shape_cast %scan3A_238#2 : vector<16xf32> to vector<1x16xf32>
      tpu.vector_store %arg10[%swap3A_250, %swap3A_251], %swap3A_254 {strides = array<i32>} : memref<128x64xf32, #tpu.memory_space<vmem>>, vector<1x16xf32>,
      %swap3A_255 = arith.index_cast %add3A_202 : i32 to index
      %swap3A_256 = arith.constant 48 : index
      %swap3A_257 = tpu.vector_load %arg10[%swap3A_255, %swap3A_256] {strides = array<i32>} : memref<128x64xf32, #tpu.memory_space<vmem>>, vector<1x16xf32>,
      %swap3A_258 = vector.shape_cast %swap3A_257 : vector<1x16xf32> to vector<16xf32>
      %swap3A_259 = vector.shape_cast %scan3A_238#3 : vector<16xf32> to vector<1x16xf32>
      tpu.vector_store %arg10[%swap3A_255, %swap3A_256], %swap3A_259 {strides = array<i32>} : memref<128x64xf32, #tpu.memory_space<vmem>>, vector<1x16xf32>,
      %mul3A_260 = arith.constant 4 : i32
      %mul3A_261 = arith.muli %scan3A_82, %mul3A_260 : i32
      %add3A_262 = arith.constant 3 : i32
      %add3A_263 = arith.addi %mul3A_261, %add3A_262 : i32
      %dma_wait3A_264 = arith.constant 0 : i32
      %dma_wait3A_265 = arith.constant 0 : i32
      %dma_wait3A_266 = tpu.memref_slice %arg9[%dma_wait3A_264, %dma_wait3A_265] : memref<200x64xf32, #tpu.memory_space<vmem>> -> memref<128x64xf32, #tpu.memory_space<vmem>>
      %dma_wait3A_267 = arith.constant 0 : i32
      %dma_wait3A_268 = tpu.memref_slice %arg5[%dma_wait3A_267] : memref<25600xi32, #tpu.memory_space<vmem>> -> memref<128xi32, #tpu.memory_space<vmem>>
      %dma_wait3A_269 = arith.constant 0 : i32
      %dma_wait3A_270 = arith.constant 0 : i32
      %dma_wait3A_271 = tpu.memref_slice %arg3[%dma_wait3A_269, %dma_wait3A_270] : memref<1000000x64xf32, #tpu.memory_space<hbm>> -> memref<1000000x64xf32, #tpu.memory_space<hbm>>
      tpu.wait_indirect_dma semaphore(%arg14 : memref<!tpu.dma_semaphore, #tpu.memory_space<semaphore_mem>>) src(%dma_wait3A_271 : memref<1000000x64xf32, #tpu.memory_space<hbm>>) dst(%dma_wait3A_266 : memref<128x64xf32, #tpu.memory_space<vmem>>)
      %dma_wait3A_272 = arith.constant 128 : i32
      %dma_wait3A_273 = arith.constant 0 : i32
      %dma_wait3A_274 = tpu.memref_slice %arg9[%dma_wait3A_272, %dma_wait3A_273] : memref<200x64xf32, #tpu.memory_space<vmem>> -> memref<72x64xf32, #tpu.memory_space<vmem>>
      %dma_wait3A_275 = arith.constant 0 : i32
      %dma_wait3A_276 = tpu.memref_slice %arg5[%dma_wait3A_275] : memref<25600xi32, #tpu.memory_space<vmem>> -> memref<72xi32, #tpu.memory_space<vmem>>
      %dma_wait3A_277 = arith.constant 0 : i32
      %dma_wait3A_278 = arith.constant 0 : i32
      %dma_wait3A_279 = tpu.memref_slice %arg3[%dma_wait3A_277, %dma_wait3A_278] : memref<1000000x64xf32, #tpu.memory_space<hbm>> -> memref<1000000x64xf32, #tpu.memory_space<hbm>>
      tpu.wait_indirect_dma semaphore(%arg14 : memref<!tpu.dma_semaphore, #tpu.memory_space<semaphore_mem>>) src(%dma_wait3A_279 : memref<1000000x64xf32, #tpu.memory_space<hbm>>) dst(%dma_wait3A_274 : memref<72x64xf32, #tpu.memory_space<vmem>>)
      %add3A_280 = arith.constant 4 : i32
      %add3A_281 = arith.addi %add3A_263, %add3A_280 : i32
      %lt3A_282 = arith.constant 128 : i32
      %lt3A_283 = arith.cmpi slt, %add3A_281, %lt3A_282 : i32
      %convert_element_type3A_284 = arith.extui %lt3A_283 : i1 to i32
      %cond3A_285 = arith.constant 0 : i32
      %cond3A_286 = arith.cmpi ne, %convert_element_type3A_284, %cond3A_285 : i32
      scf.if %cond3A_286 {
        %add3A_321 = arith.constant 4 : i32
        %add3A_322 = arith.addi %add3A_263, %add3A_321 : i32
        %mul3A_323 = arith.constant 200 : i32
        %mul3A_324 = arith.muli %add3A_322, %mul3A_323 : i32
        %multiple_of3A_325 = tpu.assume_multiple %mul3A_324, 8 : i32
        %dma_start3A_326 = arith.constant 0 : i32
        %dma_start3A_327 = arith.constant 0 : i32
        %dma_start3A_328 = tpu.memref_slice %arg9[%dma_start3A_326, %dma_start3A_327] : memref<200x64xf32, #tpu.memory_space<vmem>> -> memref<128x64xf32, #tpu.memory_space<vmem>>
        %dma_start3A_329 = tpu.memref_slice %arg5[%multiple_of3A_325] : memref<25600xi32, #tpu.memory_space<vmem>> -> memref<128xi32, #tpu.memory_space<vmem>>
        %dma_start3A_330 = arith.constant 0 : i32
        %dma_start3A_331 = arith.constant 0 : i32
        %dma_start3A_332 = tpu.memref_slice %arg3[%dma_start3A_330, %dma_start3A_331] : memref<1000000x64xf32, #tpu.memory_space<hbm>> -> memref<1000000x64xf32, #tpu.memory_space<hbm>>
        tpu.enqueue_indirect_dma source(%dma_start3A_332 : memref<1000000x64xf32, #tpu.memory_space<hbm>>) target(%dma_start3A_328 : memref<128x64xf32, #tpu.memory_space<vmem>>) offsets(%dma_start3A_329 : memref<128xi32, #tpu.memory_space<vmem>>) semaphore(%arg14 : memref<!tpu.dma_semaphore, #tpu.memory_space<semaphore_mem>>)
        %add3A_333 = arith.constant 128 : i32
        %add3A_334 = arith.addi %multiple_of3A_325, %add3A_333 : i32
        %dma_start3A_335 = arith.constant 128 : i32
        %dma_start3A_336 = arith.constant 0 : i32
        %dma_start3A_337 = tpu.memref_slice %arg9[%dma_start3A_335, %dma_start3A_336] : memref<200x64xf32, #tpu.memory_space<vmem>> -> memref<72x64xf32, #tpu.memory_space<vmem>>
        %dma_start3A_338 = tpu.memref_slice %arg5[%add3A_334] : memref<25600xi32, #tpu.memory_space<vmem>> -> memref<72xi32, #tpu.memory_space<vmem>>
        %dma_start3A_339 = arith.constant 0 : i32
        %dma_start3A_340 = arith.constant 0 : i32
        %dma_start3A_341 = tpu.memref_slice %arg3[%dma_start3A_339, %dma_start3A_340] : memref<1000000x64xf32, #tpu.memory_space<hbm>> -> memref<1000000x64xf32, #tpu.memory_space<hbm>>
        tpu.enqueue_indirect_dma source(%dma_start3A_341 : memref<1000000x64xf32, #tpu.memory_space<hbm>>) target(%dma_start3A_337 : memref<72x64xf32, #tpu.memory_space<vmem>>) offsets(%dma_start3A_338 : memref<72xi32, #tpu.memory_space<vmem>>) semaphore(%arg14 : memref<!tpu.dma_semaphore, #tpu.memory_space<semaphore_mem>>)
      } else {
      }
      %broadcast_in_dim3A_287 = arith.constant 0.000000e+00 : f32
      %broadcast_in_dim3A_288 = vector.broadcast %broadcast_in_dim3A_287 : f32 to vector<16xf32>
      %broadcast_in_dim3A_289 = arith.constant 0.000000e+00 : f32
      %broadcast_in_dim3A_290 = vector.broadcast %broadcast_in_dim3A_289 : f32 to vector<16xf32>
      %broadcast_in_dim3A_291 = arith.constant 0.000000e+00 : f32
      %broadcast_in_dim3A_292 = vector.broadcast %broadcast_in_dim3A_291 : f32 to vector<16xf32>
      %broadcast_in_dim3A_293 = arith.constant 0.000000e+00 : f32
      %broadcast_in_dim3A_294 = vector.broadcast %broadcast_in_dim3A_293 : f32 to vector<16xf32>
      %scan3A_295 = arith.constant 0 : i32
      %scan3A_296 = arith.constant 200 : i32
      %scan3A_297 = arith.addi %scan3A_295, %scan3A_296 : i32
      %scan3A_298 = arith.constant 8 : i32
      %scan3A_299:4 = scf.for %scan3A_321 = %scan3A_295 to %scan3A_297 step %scan3A_298 iter_args(%scan3A_322 = %broadcast_in_dim3A_288, %scan3A_323 = %broadcast_in_dim3A_290, %scan3A_324 = %broadcast_in_dim3A_292, %scan3A_325 = %broadcast_in_dim3A_294) -> (vector<16xf32>, vector<16xf32>, vector<16xf32>, vector<16xf32>)  : i32 {
        %get3A = arith.index_cast %scan3A_321 : i32 to index
        %get3A_326 = arith.constant 0 : index
        %get3A_327 = tpu.vector_load %arg9[%get3A, %get3A_326] {strides = array<i32>} : memref<200x64xf32, #tpu.memory_space<vmem>>, vector<1x16xf32>,
        %get3A_328 = vector.shape_cast %get3A_327 : vector<1x16xf32> to vector<16xf32>
        %add3A_329 = arith.addf %scan3A_322, %get3A_328 : vector<16xf32>
        %get3A_330 = arith.index_cast %scan3A_321 : i32 to index
        %get3A_331 = arith.constant 16 : index
        %get3A_332 = tpu.vector_load %arg9[%get3A_330, %get3A_331] {strides = array<i32>} : memref<200x64xf32, #tpu.memory_space<vmem>>, vector<1x16xf32>,
        %get3A_333 = vector.shape_cast %get3A_332 : vector<1x16xf32> to vector<16xf32>
        %add3A_334 = arith.addf %scan3A_323, %get3A_333 : vector<16xf32>
        %get3A_335 = arith.index_cast %scan3A_321 : i32 to index
        %get3A_336 = arith.constant 32 : index
        %get3A_337 = tpu.vector_load %arg9[%get3A_335, %get3A_336] {strides = array<i32>} : memref<200x64xf32, #tpu.memory_space<vmem>>, vector<1x16xf32>,
        %get3A_338 = vector.shape_cast %get3A_337 : vector<1x16xf32> to vector<16xf32>
        %add3A_339 = arith.addf %scan3A_324, %get3A_338 : vector<16xf32>
        %get3A_340 = arith.index_cast %scan3A_321 : i32 to index
        %get3A_341 = arith.constant 48 : index
        %get3A_342 = tpu.vector_load %arg9[%get3A_340, %get3A_341] {strides = array<i32>} : memref<200x64xf32, #tpu.memory_space<vmem>>, vector<1x16xf32>,
        %get3A_343 = vector.shape_cast %get3A_342 : vector<1x16xf32> to vector<16xf32>
        %add3A_344 = arith.addf %scan3A_325, %get3A_343 : vector<16xf32>
        %scan3A_345 = arith.constant 1 : i32
        %scan3A_346 = arith.addi %scan3A_321, %scan3A_345 : i32
        %get3A_347 = arith.index_cast %scan3A_346 : i32 to index
        %get3A_348 = arith.constant 0 : index
        %get3A_349 = tpu.vector_load %arg9[%get3A_347, %get3A_348] {strides = array<i32>} : memref<200x64xf32, #tpu.memory_space<vmem>>, vector<1x16xf32>,
        %get3A_350 = vector.shape_cast %get3A_349 : vector<1x16xf32> to vector<16xf32>
        %add3A_351 = arith.addf %add3A_329, %get3A_350 : vector<16xf32>
        %get3A_352 = arith.index_cast %scan3A_346 : i32 to index
        %get3A_353 = arith.constant 16 : index
        %get3A_354 = tpu.vector_load %arg9[%get3A_352, %get3A_353] {strides = array<i32>} : memref<200x64xf32, #tpu.memory_space<vmem>>, vector<1x16xf32>,
        %get3A_355 = vector.shape_cast %get3A_354 : vector<1x16xf32> to vector<16xf32>
        %add3A_356 = arith.addf %add3A_334, %get3A_355 : vector<16xf32>
        %get3A_357 = arith.index_cast %scan3A_346 : i32 to index
        %get3A_358 = arith.constant 32 : index
        %get3A_359 = tpu.vector_load %arg9[%get3A_357, %get3A_358] {strides = array<i32>} : memref<200x64xf32, #tpu.memory_space<vmem>>, vector<1x16xf32>,
        %get3A_360 = vector.shape_cast %get3A_359 : vector<1x16xf32> to vector<16xf32>
        %add3A_361 = arith.addf %add3A_339, %get3A_360 : vector<16xf32>
        %get3A_362 = arith.index_cast %scan3A_346 : i32 to index
        %get3A_363 = arith.constant 48 : index
        %get3A_364 = tpu.vector_load %arg9[%get3A_362, %get3A_363] {strides = array<i32>} : memref<200x64xf32, #tpu.memory_space<vmem>>, vector<1x16xf32>,
        %get3A_365 = vector.shape_cast %get3A_364 : vector<1x16xf32> to vector<16xf32>
        %add3A_366 = arith.addf %add3A_344, %get3A_365 : vector<16xf32>
        %scan3A_367 = arith.constant 2 : i32
        %scan3A_368 = arith.addi %scan3A_321, %scan3A_367 : i32
        %get3A_369 = arith.index_cast %scan3A_368 : i32 to index
        %get3A_370 = arith.constant 0 : index
        %get3A_371 = tpu.vector_load %arg9[%get3A_369, %get3A_370] {strides = array<i32>} : memref<200x64xf32, #tpu.memory_space<vmem>>, vector<1x16xf32>,
        %get3A_372 = vector.shape_cast %get3A_371 : vector<1x16xf32> to vector<16xf32>
        %add3A_373 = arith.addf %add3A_351, %get3A_372 : vector<16xf32>
        %get3A_374 = arith.index_cast %scan3A_368 : i32 to index
        %get3A_375 = arith.constant 16 : index
        %get3A_376 = tpu.vector_load %arg9[%get3A_374, %get3A_375] {strides = array<i32>} : memref<200x64xf32, #tpu.memory_space<vmem>>, vector<1x16xf32>,
        %get3A_377 = vector.shape_cast %get3A_376 : vector<1x16xf32> to vector<16xf32>
        %add3A_378 = arith.addf %add3A_356, %get3A_377 : vector<16xf32>
        %get3A_379 = arith.index_cast %scan3A_368 : i32 to index
        %get3A_380 = arith.constant 32 : index
        %get3A_381 = tpu.vector_load %arg9[%get3A_379, %get3A_380] {strides = array<i32>} : memref<200x64xf32, #tpu.memory_space<vmem>>, vector<1x16xf32>,
        %get3A_382 = vector.shape_cast %get3A_381 : vector<1x16xf32> to vector<16xf32>
        %add3A_383 = arith.addf %add3A_361, %get3A_382 : vector<16xf32>
        %get3A_384 = arith.index_cast %scan3A_368 : i32 to index
        %get3A_385 = arith.constant 48 : index
        %get3A_386 = tpu.vector_load %arg9[%get3A_384, %get3A_385] {strides = array<i32>} : memref<200x64xf32, #tpu.memory_space<vmem>>, vector<1x16xf32>,
        %get3A_387 = vector.shape_cast %get3A_386 : vector<1x16xf32> to vector<16xf32>
        %add3A_388 = arith.addf %add3A_366, %get3A_387 : vector<16xf32>
        %scan3A_389 = arith.constant 3 : i32
        %scan3A_390 = arith.addi %scan3A_321, %scan3A_389 : i32
        %get3A_391 = arith.index_cast %scan3A_390 : i32 to index
        %get3A_392 = arith.constant 0 : index
        %get3A_393 = tpu.vector_load %arg9[%get3A_391, %get3A_392] {strides = array<i32>} : memref<200x64xf32, #tpu.memory_space<vmem>>, vector<1x16xf32>,
        %get3A_394 = vector.shape_cast %get3A_393 : vector<1x16xf32> to vector<16xf32>
        %add3A_395 = arith.addf %add3A_373, %get3A_394 : vector<16xf32>
        %get3A_396 = arith.index_cast %scan3A_390 : i32 to index
        %get3A_397 = arith.constant 16 : index
        %get3A_398 = tpu.vector_load %arg9[%get3A_396, %get3A_397] {strides = array<i32>} : memref<200x64xf32, #tpu.memory_space<vmem>>, vector<1x16xf32>,
        %get3A_399 = vector.shape_cast %get3A_398 : vector<1x16xf32> to vector<16xf32>
        %add3A_400 = arith.addf %add3A_378, %get3A_399 : vector<16xf32>
        %get3A_401 = arith.index_cast %scan3A_390 : i32 to index
        %get3A_402 = arith.constant 32 : index
        %get3A_403 = tpu.vector_load %arg9[%get3A_401, %get3A_402] {strides = array<i32>} : memref<200x64xf32, #tpu.memory_space<vmem>>, vector<1x16xf32>,
        %get3A_404 = vector.shape_cast %get3A_403 : vector<1x16xf32> to vector<16xf32>
        %add3A_405 = arith.addf %add3A_383, %get3A_404 : vector<16xf32>
        %get3A_406 = arith.index_cast %scan3A_390 : i32 to index
        %get3A_407 = arith.constant 48 : index
        %get3A_408 = tpu.vector_load %arg9[%get3A_406, %get3A_407] {strides = array<i32>} : memref<200x64xf32, #tpu.memory_space<vmem>>, vector<1x16xf32>,
        %get3A_409 = vector.shape_cast %get3A_408 : vector<1x16xf32> to vector<16xf32>
        %add3A_410 = arith.addf %add3A_388, %get3A_409 : vector<16xf32>
        %scan3A_411 = arith.constant 4 : i32
        %scan3A_412 = arith.addi %scan3A_321, %scan3A_411 : i32
        %get3A_413 = arith.index_cast %scan3A_412 : i32 to index
        %get3A_414 = arith.constant 0 : index
        %get3A_415 = tpu.vector_load %arg9[%get3A_413, %get3A_414] {strides = array<i32>} : memref<200x64xf32, #tpu.memory_space<vmem>>, vector<1x16xf32>,
        %get3A_416 = vector.shape_cast %get3A_415 : vector<1x16xf32> to vector<16xf32>
        %add3A_417 = arith.addf %add3A_395, %get3A_416 : vector<16xf32>
        %get3A_418 = arith.index_cast %scan3A_412 : i32 to index
        %get3A_419 = arith.constant 16 : index
        %get3A_420 = tpu.vector_load %arg9[%get3A_418, %get3A_419] {strides = array<i32>} : memref<200x64xf32, #tpu.memory_space<vmem>>, vector<1x16xf32>,
        %get3A_421 = vector.shape_cast %get3A_420 : vector<1x16xf32> to vector<16xf32>
        %add3A_422 = arith.addf %add3A_400, %get3A_421 : vector<16xf32>
        %get3A_423 = arith.index_cast %scan3A_412 : i32 to index
        %get3A_424 = arith.constant 32 : index
        %get3A_425 = tpu.vector_load %arg9[%get3A_423, %get3A_424] {strides = array<i32>} : memref<200x64xf32, #tpu.memory_space<vmem>>, vector<1x16xf32>,
        %get3A_426 = vector.shape_cast %get3A_425 : vector<1x16xf32> to vector<16xf32>
        %add3A_427 = arith.addf %add3A_405, %get3A_426 : vector<16xf32>
        %get3A_428 = arith.index_cast %scan3A_412 : i32 to index
        %get3A_429 = arith.constant 48 : index
        %get3A_430 = tpu.vector_load %arg9[%get3A_428, %get3A_429] {strides = array<i32>} : memref<200x64xf32, #tpu.memory_space<vmem>>, vector<1x16xf32>,
        %get3A_431 = vector.shape_cast %get3A_430 : vector<1x16xf32> to vector<16xf32>
        %add3A_432 = arith.addf %add3A_410, %get3A_431 : vector<16xf32>
        %scan3A_433 = arith.constant 5 : i32
        %scan3A_434 = arith.addi %scan3A_321, %scan3A_433 : i32
        %get3A_435 = arith.index_cast %scan3A_434 : i32 to index
        %get3A_436 = arith.constant 0 : index
        %get3A_437 = tpu.vector_load %arg9[%get3A_435, %get3A_436] {strides = array<i32>} : memref<200x64xf32, #tpu.memory_space<vmem>>, vector<1x16xf32>,
        %get3A_438 = vector.shape_cast %get3A_437 : vector<1x16xf32> to vector<16xf32>
        %add3A_439 = arith.addf %add3A_417, %get3A_438 : vector<16xf32>
        %get3A_440 = arith.index_cast %scan3A_434 : i32 to index
        %get3A_441 = arith.constant 16 : index
        %get3A_442 = tpu.vector_load %arg9[%get3A_440, %get3A_441] {strides = array<i32>} : memref<200x64xf32, #tpu.memory_space<vmem>>, vector<1x16xf32>,
        %get3A_443 = vector.shape_cast %get3A_442 : vector<1x16xf32> to vector<16xf32>
        %add3A_444 = arith.addf %add3A_422, %get3A_443 : vector<16xf32>
        %get3A_445 = arith.index_cast %scan3A_434 : i32 to index
        %get3A_446 = arith.constant 32 : index
        %get3A_447 = tpu.vector_load %arg9[%get3A_445, %get3A_446] {strides = array<i32>} : memref<200x64xf32, #tpu.memory_space<vmem>>, vector<1x16xf32>,
        %get3A_448 = vector.shape_cast %get3A_447 : vector<1x16xf32> to vector<16xf32>
        %add3A_449 = arith.addf %add3A_427, %get3A_448 : vector<16xf32>
        %get3A_450 = arith.index_cast %scan3A_434 : i32 to index
        %get3A_451 = arith.constant 48 : index
        %get3A_452 = tpu.vector_load %arg9[%get3A_450, %get3A_451] {strides = array<i32>} : memref<200x64xf32, #tpu.memory_space<vmem>>, vector<1x16xf32>,
        %get3A_453 = vector.shape_cast %get3A_452 : vector<1x16xf32> to vector<16xf32>
        %add3A_454 = arith.addf %add3A_432, %get3A_453 : vector<16xf32>
        %scan3A_455 = arith.constant 6 : i32
        %scan3A_456 = arith.addi %scan3A_321, %scan3A_455 : i32
        %get3A_457 = arith.index_cast %scan3A_456 : i32 to index
        %get3A_458 = arith.constant 0 : index
        %get3A_459 = tpu.vector_load %arg9[%get3A_457, %get3A_458] {strides = array<i32>} : memref<200x64xf32, #tpu.memory_space<vmem>>, vector<1x16xf32>,
        %get3A_460 = vector.shape_cast %get3A_459 : vector<1x16xf32> to vector<16xf32>
        %add3A_461 = arith.addf %add3A_439, %get3A_460 : vector<16xf32>
        %get3A_462 = arith.index_cast %scan3A_456 : i32 to index
        %get3A_463 = arith.constant 16 : index
        %get3A_464 = tpu.vector_load %arg9[%get3A_462, %get3A_463] {strides = array<i32>} : memref<200x64xf32, #tpu.memory_space<vmem>>, vector<1x16xf32>,
        %get3A_465 = vector.shape_cast %get3A_464 : vector<1x16xf32> to vector<16xf32>
        %add3A_466 = arith.addf %add3A_444, %get3A_465 : vector<16xf32>
        %get3A_467 = arith.index_cast %scan3A_456 : i32 to index
        %get3A_468 = arith.constant 32 : index
        %get3A_469 = tpu.vector_load %arg9[%get3A_467, %get3A_468] {strides = array<i32>} : memref<200x64xf32, #tpu.memory_space<vmem>>, vector<1x16xf32>,
        %get3A_470 = vector.shape_cast %get3A_469 : vector<1x16xf32> to vector<16xf32>
        %add3A_471 = arith.addf %add3A_449, %get3A_470 : vector<16xf32>
        %get3A_472 = arith.index_cast %scan3A_456 : i32 to index
        %get3A_473 = arith.constant 48 : index
        %get3A_474 = tpu.vector_load %arg9[%get3A_472, %get3A_473] {strides = array<i32>} : memref<200x64xf32, #tpu.memory_space<vmem>>, vector<1x16xf32>,
        %get3A_475 = vector.shape_cast %get3A_474 : vector<1x16xf32> to vector<16xf32>
        %add3A_476 = arith.addf %add3A_454, %get3A_475 : vector<16xf32>
        %scan3A_477 = arith.constant 7 : i32
        %scan3A_478 = arith.addi %scan3A_321, %scan3A_477 : i32
        %get3A_479 = arith.index_cast %scan3A_478 : i32 to index
        %get3A_480 = arith.constant 0 : index
        %get3A_481 = tpu.vector_load %arg9[%get3A_479, %get3A_480] {strides = array<i32>} : memref<200x64xf32, #tpu.memory_space<vmem>>, vector<1x16xf32>,
        %get3A_482 = vector.shape_cast %get3A_481 : vector<1x16xf32> to vector<16xf32>
        %add3A_483 = arith.addf %add3A_461, %get3A_482 : vector<16xf32>
        %get3A_484 = arith.index_cast %scan3A_478 : i32 to index
        %get3A_485 = arith.constant 16 : index
        %get3A_486 = tpu.vector_load %arg9[%get3A_484, %get3A_485] {strides = array<i32>} : memref<200x64xf32, #tpu.memory_space<vmem>>, vector<1x16xf32>,
        %get3A_487 = vector.shape_cast %get3A_486 : vector<1x16xf32> to vector<16xf32>
        %add3A_488 = arith.addf %add3A_466, %get3A_487 : vector<16xf32>
        %get3A_489 = arith.index_cast %scan3A_478 : i32 to index
        %get3A_490 = arith.constant 32 : index
        %get3A_491 = tpu.vector_load %arg9[%get3A_489, %get3A_490] {strides = array<i32>} : memref<200x64xf32, #tpu.memory_space<vmem>>, vector<1x16xf32>,
        %get3A_492 = vector.shape_cast %get3A_491 : vector<1x16xf32> to vector<16xf32>
        %add3A_493 = arith.addf %add3A_471, %get3A_492 : vector<16xf32>
        %get3A_494 = arith.index_cast %scan3A_478 : i32 to index
        %get3A_495 = arith.constant 48 : index
        %get3A_496 = tpu.vector_load %arg9[%get3A_494, %get3A_495] {strides = array<i32>} : memref<200x64xf32, #tpu.memory_space<vmem>>, vector<1x16xf32>,
        %get3A_497 = vector.shape_cast %get3A_496 : vector<1x16xf32> to vector<16xf32>
        %add3A_498 = arith.addf %add3A_476, %get3A_497 : vector<16xf32>
        scf.yield %add3A_483, %add3A_488, %add3A_493, %add3A_498 : vector<16xf32>, vector<16xf32>, vector<16xf32>, vector<16xf32>
      }
      %scan3A_300 = arith.constant 200 : i32
      %swap3A_301 = arith.index_cast %add3A_263 : i32 to index
      %swap3A_302 = arith.constant 0 : index
      %swap3A_303 = tpu.vector_load %arg10[%swap3A_301, %swap3A_302] {strides = array<i32>} : memref<128x64xf32, #tpu.memory_space<vmem>>, vector<1x16xf32>,
      %swap3A_304 = vector.shape_cast %swap3A_303 : vector<1x16xf32> to vector<16xf32>
      %swap3A_305 = vector.shape_cast %scan3A_299#0 : vector<16xf32> to vector<1x16xf32>
      tpu.vector_store %arg10[%swap3A_301, %swap3A_302], %swap3A_305 {strides = array<i32>} : memref<128x64xf32, #tpu.memory_space<vmem>>, vector<1x16xf32>,
      %swap3A_306 = arith.index_cast %add3A_263 : i32 to index
      %swap3A_307 = arith.constant 16 : index
      %swap3A_308 = tpu.vector_load %arg10[%swap3A_306, %swap3A_307] {strides = array<i32>} : memref<128x64xf32, #tpu.memory_space<vmem>>, vector<1x16xf32>,
      %swap3A_309 = vector.shape_cast %swap3A_308 : vector<1x16xf32> to vector<16xf32>
      %swap3A_310 = vector.shape_cast %scan3A_299#1 : vector<16xf32> to vector<1x16xf32>
      tpu.vector_store %arg10[%swap3A_306, %swap3A_307], %swap3A_310 {strides = array<i32>} : memref<128x64xf32, #tpu.memory_space<vmem>>, vector<1x16xf32>,
      %swap3A_311 = arith.index_cast %add3A_263 : i32 to index
      %swap3A_312 = arith.constant 32 : index
      %swap3A_313 = tpu.vector_load %arg10[%swap3A_311, %swap3A_312] {strides = array<i32>} : memref<128x64xf32, #tpu.memory_space<vmem>>, vector<1x16xf32>,
      %swap3A_314 = vector.shape_cast %swap3A_313 : vector<1x16xf32> to vector<16xf32>
      %swap3A_315 = vector.shape_cast %scan3A_299#2 : vector<16xf32> to vector<1x16xf32>
      tpu.vector_store %arg10[%swap3A_311, %swap3A_312], %swap3A_315 {strides = array<i32>} : memref<128x64xf32, #tpu.memory_space<vmem>>, vector<1x16xf32>,
      %swap3A_316 = arith.index_cast %add3A_263 : i32 to index
      %swap3A_317 = arith.constant 48 : index
      %swap3A_318 = tpu.vector_load %arg10[%swap3A_316, %swap3A_317] {strides = array<i32>} : memref<128x64xf32, #tpu.memory_space<vmem>>, vector<1x16xf32>,
      %swap3A_319 = vector.shape_cast %swap3A_318 : vector<1x16xf32> to vector<16xf32>
      %swap3A_320 = vector.shape_cast %scan3A_299#3 : vector<16xf32> to vector<1x16xf32>
      tpu.vector_store %arg10[%swap3A_316, %swap3A_317], %swap3A_320 {strides = array<i32>} : memref<128x64xf32, #tpu.memory_space<vmem>>, vector<1x16xf32>,
    }
    %scan3A_78 = arith.constant 32 : i32
    %mul3A_79 = arith.constant 128 : i32
    %mul3A_80 = arith.muli %add3A, %mul3A_79 : i32
    %multiple_of3A_81 = tpu.assume_multiple %mul3A_80, 8 : i32
    "tpu.region"() ({
      %run_scoped3A = tpu.sem_alloc : memref<!tpu.dma_semaphore, #tpu.memory_space<semaphore_mem>>
      %dma_start3A_82 = arith.constant 0 : i32
      %dma_start3A_83 = tpu.memref_slice %arg4[%multiple_of3A_81, %dma_start3A_82] : memref<4096x64xf32, #tpu.memory_space<hbm>> -> memref<128x64xf32, #tpu.memory_space<hbm>>
      %dma_start3A_84 = arith.constant 0 : i32
      %dma_start3A_85 = tpu.memref_slice %arg4[%multiple_of3A_81, %dma_start3A_84] : memref<4096x64xf32, #tpu.memory_space<hbm>> -> memref<128x64xf32, #tpu.memory_space<hbm>>
      tpu.enqueue_dma source(%arg10 : memref<128x64xf32, #tpu.memory_space<vmem>>) target(%dma_start3A_85 : memref<128x64xf32, #tpu.memory_space<hbm>>) target_semaphore(%run_scoped3A : memref<!tpu.dma_semaphore, #tpu.memory_space<semaphore_mem>>)
      %dma_wait3A = arith.constant 0 : i32
      %dma_wait3A_86 = tpu.memref_slice %arg4[%multiple_of3A_81, %dma_wait3A] : memref<4096x64xf32, #tpu.memory_space<hbm>> -> memref<128x64xf32, #tpu.memory_space<hbm>>
      %dma_wait3A_87 = arith.constant 0 : i32
      %dma_wait3A_88 = tpu.memref_slice %arg4[%multiple_of3A_81, %dma_wait3A_87] : memref<4096x64xf32, #tpu.memory_space<hbm>> -> memref<128x64xf32, #tpu.memory_space<hbm>>
      tpu.wait_dma2 semaphore(%run_scoped3A : memref<!tpu.dma_semaphore, #tpu.memory_space<semaphore_mem>>) src(%arg10 : memref<128x64xf32, #tpu.memory_space<vmem>>) dst(%dma_wait3A_88 : memref<128x64xf32, #tpu.memory_space<hbm>>)
      tpu.yield
    }) : () -> ()
    return
  }
}

module attributes {stable_mosaic.version = 14 : i64} {
  func.func @body(%arg0: i32, %arg1: memref<256x200xi32, #tpu.memory_space<vmem>>, %arg2: memref<256x64xf32, #tpu.memory_space<vmem>>, %arg3: memref<1x64xf32, #tpu.memory_space<vmem>>, %arg4: memref<256x64xf32, #tpu.memory_space<vmem>>) attributes {dimension_semantics = [#tpu.dimension_semantics<arbitrary>], iteration_bounds = array<i64: 16>, scalar_prefetch = 0 : i64, scratch_operands = 0 : i64, tpu.core_type = #tpu.core_type<tc>, window_params = [{transform_indices = @transform_0, window_bounds = array<i64: 256, 200>}, {transform_indices = @transform_1, window_bounds = array<i64: 256, 64>}, {pipeline_mode = #tpu.pipeline_mode<synchronous>, transform_indices = @transform_2, window_bounds = array<i64: 1, 64>}, {transform_indices = @transform_3, window_bounds = array<i64: 256, 64>}]} {
    %get3A = arith.constant 0 : index
    %get3A_0 = arith.constant 0 : index
    %get3A_1 = vector.load %arg1[%get3A, %get3A_0] : memref<256x200xi32, #tpu.memory_space<vmem>>, vector<256x200xi32>
    %eq3A = arith.constant 0 : i32
    %eq3A_2 = vector.broadcast %eq3A : i32 to vector<256x200xi32>
    %eq3A_3 = arith.cmpi eq, %get3A_1, %eq3A_2 : vector<256x200xi32>
    %convert_element_type3A = arith.extui %eq3A_3 : vector<256x200xi1> to vector<256x200xi32>
    %convert_element_type3A_4 = arith.sitofp %convert_element_type3A : vector<256x200xi32> to vector<256x200xf32>
    %reduce_sum3A = arith.constant dense<0.000000e+00> : vector<256xf32>
    %reduce_sum3A_5 = vector.multi_reduction <add>, %convert_element_type3A_4, %reduce_sum3A [1] : vector<256x200xf32> to vector<256xf32>
    %broadcast_in_dim3A = vector.shape_cast %reduce_sum3A_5 : vector<256xf32> to vector<256x1xf32>
    %get3A_6 = arith.constant 0 : index
    %get3A_7 = arith.constant 0 : index
    %get3A_8 = vector.load %arg2[%get3A_6, %get3A_7] : memref<256x64xf32, #tpu.memory_space<vmem>>, vector<256x64xf32>
    %get3A_9 = arith.constant 0 : index
    %get3A_10 = arith.constant 0 : index
    %get3A_11 = vector.load %arg3[%get3A_9, %get3A_10] : memref<1x64xf32, #tpu.memory_space<vmem>>, vector<1x64xf32>
    %mul3A = vector.broadcast %broadcast_in_dim3A : vector<256x1xf32> to vector<256x64xf32>
    %mul3A_12 = vector.broadcast %get3A_11 : vector<1x64xf32> to vector<256x64xf32>
    %mul3A_13 = arith.mulf %mul3A, %mul3A_12 : vector<256x64xf32>
    %sub3A = arith.subf %get3A_8, %mul3A_13 : vector<256x64xf32>
    %sub3A_14 = arith.constant 2.000000e+02 : f32
    %sub3A_15 = vector.broadcast %sub3A_14 : f32 to vector<256x1xf32>
    %sub3A_16 = arith.subf %sub3A_15, %broadcast_in_dim3A : vector<256x1xf32>
    %add3A = arith.constant 9.99999971E-10 : f32
    %add3A_17 = vector.broadcast %add3A : f32 to vector<256x1xf32>
    %add3A_18 = arith.addf %sub3A_16, %add3A_17 : vector<256x1xf32>
    %div3A = vector.broadcast %add3A_18 : vector<256x1xf32> to vector<256x64xf32>
    %div3A_19 = arith.divf %sub3A, %div3A : vector<256x64xf32>
    %mul3A_20 = arith.mulf %div3A_19, %div3A_19 : vector<256x64xf32>
    %reduce_sum3A_21 = arith.constant dense<0.000000e+00> : vector<256xf32>
    %reduce_sum3A_22 = vector.multi_reduction <add>, %mul3A_20, %reduce_sum3A_21 [1] : vector<256x64xf32> to vector<256xf32>
    %broadcast_in_dim3A_23 = vector.shape_cast %reduce_sum3A_22 : vector<256xf32> to vector<256x1xf32>
    %sqrt3A = math.sqrt %broadcast_in_dim3A_23 : vector<256x1xf32>
    %max3A = arith.constant 9.99999996E-13 : f32
    %max3A_24 = vector.broadcast %max3A : f32 to vector<256x1xf32>
    %max3A_25 = arith.maximumf %sqrt3A, %max3A_24 : vector<256x1xf32>
    %div3A_26 = vector.broadcast %max3A_25 : vector<256x1xf32> to vector<256x64xf32>
    %div3A_27 = arith.divf %div3A_19, %div3A_26 : vector<256x64xf32>
    %swap3A = arith.constant 0 : index
    %swap3A_28 = arith.constant 0 : index
    %swap3A_29 = vector.load %arg4[%swap3A, %swap3A_28] : memref<256x64xf32, #tpu.memory_space<vmem>>, vector<256x64xf32>
    tpu.vector_store %arg4[%swap3A, %swap3A_28], %div3A_27 {strides = array<i32>} : memref<256x64xf32, #tpu.memory_space<vmem>>, vector<256x64xf32>,
    return
  }
  func.func @transform_0(%arg0: i32) -> (i32, i32) {
    %c0_i32 = arith.constant 0 : i32
    %c0_i32_0 = arith.constant 0 : i32
    return %arg0, %c0_i32 : i32, i32
  }
  func.func @transform_1(%arg0: i32) -> (i32, i32) {
    %c0_i32 = arith.constant 0 : i32
    %c0_i32_0 = arith.constant 0 : i32
    return %arg0, %c0_i32 : i32, i32
  }
  func.func @transform_2(%arg0: i32) -> (i32, i32) {
    %c0_i32 = arith.constant 0 : i32
    %c0_i32_0 = arith.constant 0 : i32
    %c0_i32_1 = arith.constant 0 : i32
    return %c0_i32, %c0_i32_0 : i32, i32
  }
  func.func @transform_3(%arg0: i32) -> (i32, i32) {
    %c0_i32 = arith.constant 0 : i32
    %c0_i32_0 = arith.constant 0 : i32
    return %arg0, %c0_i32 : i32, i32
  }
}

</mosaic_0001>

<sc_bundles>
// kernel: kernel.4.cloned.1.call-start
scs
__scs_entry_jumppad:
0x0: {  	(pc) =	sbr.rel $0x88, $3  }
0x1: {  	(tag) =	ssettag $0x0;
	lr =	simm.s32 $0x1  }
0x2: {  	[smem:$0x3F9F] =	sst lr;
	_ =	strace $0xD0000000  }
0x3: {  	_ = 	snop  }
0x4: {  	_ = 	snop  }
0x5: {  	_ = 	snop  }
0x6: {  	_ = 	snop  }
0x7: {  	_ = 	snop  }
__scs_overlays_trampoline_lowered:
0x8: {  	[smem:$0x3FAE] =	sst s0  }
0x9: {  	[smem:$0x3FAF] =	sst s1  }
0xa: {  	[smem:$0x3FB0] =	sst s2  }
0xb: {  	[smem:$0x3FB1] =	sst s3  }
0xc: {  	[smem:$0x3FB2] =	sst s4  }
0xd: {  	[smem:$0x3FB3] =	sst s5  }
0xe: {  	[smem:$0x3FB4] =	sst s6  }
0xf: {  	[smem:$0x3FB5] =	sst s7  }
0x10: {  	[smem:$0x3FB6] =	sst s8  }
0x11: {  	[smem:$0x3FB7] =	sst s9;
	s0 =	simm.s32 @!p0 $0x0  }
0x12: {  	s1 =	sld [smem:$0x3F9D];
	s0 =	simm.s32 @p0 $0x1  }
0x13: {  	[smem:$0x3FB8] =	sst s0;
	s0 =	simm.s32 @!p1 $0x0  }
0x14: {  	s2 =	sld [smem:$0x3F9C];
	s0 =	simm.s32 @p1 $0x1  }
0x15: {  	[smem:$0x3FB9] =	sst s0;
	s0 =	simm.s32 @!p2 $0x0  }
0x16: {  	s3 =	sld [smem:$0x3FDB];
	s0 =	simm.s32 @p2 $0x1  }
0x17: {  	s4 =	simm.s32 $0x1BF5;
	[smem:$0x3FBB] =	sst s0  }
0x18: {  	s0 =	sld [smem:$0x3F9E];
	_ =	swait.ge [sflag:s4], $0x0  }
0x19: {  	s7 =	sld [smem:$0x3F9F]  }
0x1a: {  	s8 =	sadd.s32 $0xFFFFE003, lr  }
0x1b: {  	s9 =	sadd.s32 $0xFFFFFEF7, lr;
	s5 =	simm.s32 $0xFFFFFFFF;
	p2 =	slt.u32 s8, $0xFFFFF086  }
0x1c: {  	p1 =	slt.u32 s9, $0xF7A;
	s5 =	simm.s32 @!p2 $0x0  }
0x1d: {  	s5 =	simm.s32 @p1 $0x1;
	p0 =	seq.s32 s7, s2  }
0x1e: {  	s7 =	smul.u32 @!p0 $0xF7A, s2;
	p2 =	seq.s32 @!p0 s5, $0x0  }
0x1f: {  	s9 =	smul.u32 $0xF7A, s1;
	s8 =	simm.s32 @!p0 $0x1BF5;
	p2 =	por !p2, p0  }
0x20: {  	[sflag:s8] =	ssyncset.s32 @!p0 $0xFFFFF086;
	s6 =	sadd.s32 @!p0 s3, s7;
	s7 =	simm.s32 @!p0 $0x108  }
0x21: {  	s3 =	sadd.s32 s3, s9;
	s6 =	sadd.s32 @!p0 $0x88, s6;
	s7 =	simm.s32 @p2 $0x1082  }
0x22: {  	[simem:s7], [sflag:s8] =	dma.local @!p0 [hbm:s6], $0xF7A  }
0x23: {  	s9 =	sor.u32 $0xD0000000, s2;
	s6 =	simm.s32 $0x108;
	_ =	swait.ge @!p0 [sflag:s8], $0x0  }
0x24: {  	s3 =	sadd.s32 $0x88, s3;
	s6 =	simm.s32 @!p1 $0x1082;
	[sflag:s4] =	ssyncset.s32 $0xFFFFF086  }
0x25: {  	[simem:s6], [sflag:s4] =	dma.local [hbm:s3], $0xF7A  }
0x26: {  	[smem:$0x3F9F] =	sst s1;
	(tag) =	ssettag s2;
	_ =	strace s9  }
0x27: {  	s1 =	sld [smem:$0x3FAF]  }
0x28: {  	s2 =	sld [smem:$0x3FB0]  }
0x29: {  	s4 =	sld [smem:$0x3FB2]  }
0x2a: {  	p0 =	seq.s32 s5, $0x0;
	s5 =	sld [smem:$0x3FB3]  }
0x2b: {  	s6 =	sld [smem:$0x3FB4]  }
0x2c: {  	s7 =	sld [smem:$0x3FB5]  }
0x2d: {  	s3 =	simm.s32 $0x108;
	s8 =	sld [smem:$0x3FB6]  }
0x2e: {  	s3 =	simm.s32 @!p0 $0x1082;
	s9 =	sld [smem:$0x3FB7]  }
0x2f: {  	lr =	sadd.s32 s0, s3;
	s0 =	sld [smem:$0x3FAE]  }
0x30: {  	s3 =	sld [smem:$0x3FB1]  }
0x31: {  	[smem:$0x3FBA] =	sst s10  }
0x32: {  	s10 =	sld [smem:$0x3FB8];
	_ =	sdelay $0x3  }
0x33: {  	p0 =	seq.s32 s10, $0x1;
	s10 =	sld [smem:$0x3FBA];
	_ =	sdelay $0x3  }
0x34: {  	[smem:$0x3FBA] =	sst s10  }
0x35: {  	s10 =	sld [smem:$0x3FB9];
	_ =	sdelay $0x3  }
0x36: {  	p1 =	seq.s32 s10, $0x1;
	s10 =	sld [smem:$0x3FBA];
	_ =	sdelay $0x3  }
0x37: {  	[smem:$0x3FBA] =	sst s10  }
0x38: {  	s10 =	sld [smem:$0x3FBB]  }
0x39: {  	_ = 	snop;
	(pc) =	sbr.ind lr, $3  }
0x3a: {  	_ = 	snop  }
0x3b: {  	_ = 	snop  }
0x3c: {  	p2 =	seq.s32 s10, $0x1;
	s10 =	sld [smem:$0x3FBA]  }
0x3d: {  	_ =	shalt  }
0x3e: {  	_ =	shalt  }
0x3f: {  	_ =	shalt  }
0x40: {  	_ =	shalt  }
0x41: {  	_ =	shalt  }
0x42: {  	_ =	shalt  }
0x43: {  	_ =	shalt  }
0x44: {  	_ =	shalt  }
0x45: {  	_ =	shalt  }
0x46: {  	_ =	shalt  }
0x47: {  	_ =	shalt  }
0x48: {  	_ =	shalt  }
0x49: {  	_ =	shalt  }
0x4a: {  	_ =	shalt  }
0x4b: {  	_ =	shalt  }
0x4c: {  	_ =	shalt  }
0x4d: {  	_ =	shalt  }
0x4e: {  	_ =	shalt  }
0x4f: {  	_ =	shalt  }
0x50: {  	_ =	shalt  }
0x51: {  	_ =	shalt  }
0x52: {  	_ =	shalt  }
0x53: {  	_ =	shalt  }
0x54: {  	_ =	shalt  }
0x55: {  	_ =	shalt  }
0x56: {  	_ =	shalt  }
0x57: {  	_ =	shalt  }
0x58: {  	_ =	shalt  }
0x59: {  	_ =	shalt  }
0x5a: {  	_ =	shalt  }
0x5b: {  	_ =	shalt  }
0x5c: {  	_ =	shalt  }
0x5d: {  	_ =	shalt  }
0x5e: {  	_ =	shalt  }
0x5f: {  	_ =	shalt  }
0x60: {  	_ =	shalt  }
0x61: {  	_ =	shalt  }
0x62: {  	_ =	shalt  }
0x63: {  	_ =	shalt  }
0x64: {  	_ =	shalt  }
0x65: {  	_ =	shalt  }
0x66: {  	_ =	shalt  }
0x67: {  	_ =	shalt  }
0x68: {  	_ =	shalt  }
0x69: {  	_ =	shalt  }
0x6a: {  	_ =	shalt  }
0x6b: {  	_ =	shalt  }
0x6c: {  	_ =	shalt  }
0x6d: {  	_ =	shalt  }
0x6e: {  	_ =	shalt  }
0x6f: {  	_ =	shalt  }
0x70: {  	_ =	shalt  }
0x71: {  	_ =	shalt  }
0x72: {  	_ =	shalt  }
0x73: {  	_ =	shalt  }
0x74: {  	_ =	shalt  }
0x75: {  	_ =	shalt  }
0x76: {  	_ =	shalt  }
0x77: {  	_ =	shalt  }
0x78: {  	_ =	shalt  }
0x79: {  	_ =	shalt  }
0x7a: {  	_ =	shalt  }
0x7b: {  	_ =	shalt  }
0x7c: {  	_ =	shalt  }
0x7d: {  	_ =	shalt  }
0x7e: {  	_ =	shalt  }
0x7f: {  	_ =	shalt  }
0x80: {  	_ =	shalt  }
0x81: {  	_ =	shalt  }
0x82: {  	_ =	shalt  }
0x83: {  	_ =	shalt  }
0x84: {  	_ =	shalt  }
0x85: {  	_ =	shalt  }
0x86: {  	_ =	shalt  }
0x87: {  	_ =	shalt  }
.Lfunc_end0:
.L_simem_size_0:
called_computation_lowered:
.L_overlay_start_0:
0x88: {  	s2 =	sld [smem:$0x3FD9]  }
0x89: {  	s3 =	sld [smem:$0x3FFE];
	_ =	sdelay $0x1  }
0x8a: {  	s1 =	srdreg.scid  }
0x8b: {  	s0 =	sand.u32 $0x1, s1  }
0x8c: {  	s17 =	sshll.u32 s0, $0xA;
	s2 =	sadd.s32 s3, s2  }
0x8d: {  	s2 =	sadd.s32 s2, s17  }
0x8e: {  	[smem:$0x3FC6] =	sst s2  }
0x8f: {  	_ = 	snop  }
0x90: {  	s2 =	sld [smem:$0x3FD0];
	(tm) =	ssettm $0x1  }
0x91: {  	s18 =	sld [smem:$0x3FFB];
	_ =	sdelay $0x3  }
0x92: {  	_ =	strace s18  }
0x93: {  	s3 =	sld [smem:$0x3FFC];
	_ =	sdelay $0x3  }
0x94: {  	_ =	strace s3  }
0x95: {  	s3 =	sld [smem:$0x3FFD];
	_ =	sdelay $0x3  }
0x96: {  	_ =	strace s3  }
0x97: {  	_ =	strace $0x8FFFFFFF  }
0x98: {  	s19 =	sld [smem:$0x3FDB];
	_ =	sdelay $0x1  }
0x99: {  	s4 =	simm.s32 $_scs_section_size  }
0x9a: {  	s5 =	simm.s32 $_size__tile_overlayer_lowered;
	s6 =	simm.s32 $_tile_overlayer_lowered  }
0x9b: {  	s22 =	simm.s32 $0x1BFF;
	s21 =	sshll.u32 s6, $0x1;
	s3 =	sadd.s32 s4, s19  }
0x9c: {  	s7 =	simm.s32 $0x0;
	s20 =	sshll.u32 s5, $0x1;
	s5 =	sadd.s32 s21, s3  }
0x9d: {  	[timem:s7], [sflag:s22] =	dma.local [hbm:s5], s20  }
0x9e: {  	_ =	swait.ge [sflag:s22], s20  }
0x9f: {  	s4 =	ssub.s32 $0x0, s20;
	[sflag:s22] =	ssyncset.done $0x0  }
0xa0: {  	[sflag:s22] =	ssyncadd.s32 s4;
	_ =	sdelay $0x1  }
0xa1: {  	s23 =	simm.s32 $0x1B8B  }
0xa2: {  	_ =	swait.ge [sflag:s23], $0x1  }
0xa3: {  	[sflag:s23] =	ssyncset.done $0x0  }
0xa4: {  	s25 =	simm.s32 $0x1B8E;
	s24 =	sld [smem:$0x3FFE];
	[sflag:s23] =	ssyncadd.s32 $0xFFFFFFFF  }
0xa5: {  	s26 =	simm.s32 $execute0_lowered;
	[smem:$0x3FD2] =	sst s25  }
0xa6: {  	s5 =	sshll.u32 s26, $0x1;
	_ =	strace $0x80000046;
	[dreg:$0x1] =	wrdreg $0xFFFFFFFF  }
0xa7: {  	s28 =	simm.s32 $_size_execute0_lowered;
	s3 =	sadd.s32 s3, s5;
	[dreg:$0x0] =	wrdreg $0x0  }
0xa8: {  	s5 =	sshll.u32 s28, $0x1;
	[dreg:$0x2] =	wrdreg s3  }
0xa9: {  	[dreg:$0x3] =	wrdreg s5  }
0xaa: {  	[dreg:$0x4] =	wrdreg $0xC0  }
0xab: {  	_ =	task [dreg:s7], $0x5FFFF  }
0xac: {  	[dreg:$0x1] =	wrdreg $0xFFFFFFFF  }
0xad: {  	[dreg:$0x0] =	wrdreg $0x60  }
0xae: {  	[dreg:$0x2] =	wrdreg s24  }
0xaf: {  	[dreg:$0x3] =	wrdreg s2  }
0xb0: {  	[dreg:$0x4] =	wrdreg $0x9  }
0xb1: {  	_ =	task.clear_ibuf [dreg:s7], $0x5FFFF;
	_ =	strace $0x90000046  }
0xb2: {  	s29 =	simm.s32 $0x9;
	_ =	strace $0x80000048  }
0xb3: {  	_ =	swait.ge [sflag:s29], $0x1  }
0xb4: {  	[sflag:s29] =	ssyncadd.s32 $0xFFFFFFFF  }
0xb5: {  	_ =	strace $0x90000048  }
0xb6: {  	_ =	sfence  }
0xb7: {  	s30 =	sld [smem:$0x0];
	_ =	sdelay $0x2  }
0xb8: {  	s31 =	sshll.u32 s1, $0xD;
	s1 =	sshrl.u32 s1, $0x2  }
0xb9: {  	s3 =	sand.u32 $0x4000, s31;
	s1 =	sadd.s32 s1, s30  }
0xba: {  	s0 =	sor.u32 s3, s0;
	s1 =	sshll.u32 s1, $0x11  }
0xbb: {  	s0 =	sor.u32 s1, s0  }
0xbc: {  	s0 =	sadd.s32 $0x8F2B, s0  }
0xbd: {  	[sflag:s0] =	ssyncadd.remote.s32 $0x1  }
0xbe: {  	_ =	sfence.sel $0xFFFF  }
0xbf: {  	[dreg:$0x0] =	wrdreg $0xFFFFFFFF;
	(pc) =	sbr.abs _section_cstart, $3  }
0xc0: {  	[dreg:$0x1] =	wrdreg $0xFFFFFFFF  }
0xc1: {  	_ =	task.clear_ibuf [dreg:s7], $0x2FFFF;
	_ =	strace $0x9FFFFFFF  }
0xc2: {  	(tm) =	ssettm $0x7FFFFFFF  }
0xc3: {  	_ =	shalt  }
tec
execute0_lowered:
.L_overlay_start_1:
0x0: {  	(tag) =	ssettag $0x1  }
0x1: {  	s0 =	srdreg.scid;
	s1 =	rddreg [dreg:$0x0]  }
0x2: {  	s2 =	stileid.u32;
	s5 =	rddreg [dreg:$0x1]  }
0x3: {  	s8 =	simm.s32 $0x80;
	s10 =	simm.s32 $0x48;
	s13 =	simm.s32 $0x9600  }
0x4: {  	s14 =	simm.s32 $0x148;
	s15 =	simm.s32 $0xB600;
	s16 =	simm.s32 $0x190  }
0x5: {  	s17 =	simm.s32 $0xC800;
	s18 =	simm.s32 $0x210;
	s19 =	simm.s32 $0xE800  }
0x6: {  	s20 =	simm.s32 $0x258;
	s21 =	simm.s32 $0xFA00;
	s22 =	simm.s32 $0x2D8  }
0x7: {  	s23 =	simm.s32 $0x11A00;
	s24 =	simm.s32 $0x1;
	s25 =	simm.s32 $0x2  }
0x8: {  	s26 =	simm.s32 $0x3;
	s28 =	simm.s32 $0x4;
	s29 =	simm.s32 $0x12C00  }
0x9: {  	s30 =	simm.s32 $0x0;
	s0 =	sand.u32 $0x1, s0;
	s2 =	sshll.u32 s2, $0x1  }
0xa: {  	s4 =	sor.u32 s0, s2;
	s2 =	simm.s32 $0x0;
	s0 =	ssub.s32 $0x2, s0  }
0xb: {  	s3 =	smul.u32 $0xC80, s4;
	[smem:$0x7FF] =	sst s2;
	s31 =	sshrl.u32 s0, $0x1  }
0xc: {  	s7 =	sshll.u32 s4, $0xA;
	_ =	strace $0x80000047;
	s0 =	ssub.s32 s0, s31  }
0xd: {  	s5 =	sadd.s32 s5, s7;
	s7 =	simm.s32 $0x5;
	s6 =	sadd.s32 s3, s1  }
0xe: {  	s3 =	sadd.s32 $0xF7BC00, s1;
	s4 =	sadd.s32 $0x20800, s6;
	s6 =	smax.u32 s0, $0x1  }
.LBB2_1:
0xf: {  	[tilespmem:s2], [sflag:$0x5] =	stream.linear.gather [hbm4b:s4+s2], $0x6400, $0x38;
	[tilespmem:$0x14C00] =	vst v63  }
0x10: {  	_ =	swait.ge [sflag:s7], $0x6400  }
0x11: {  	[sflag:s7] =	ssyncset.done $0x0  }
0x12: {  	s0 =	simm.s32 $0x6400;
	[sflag:s7] =	ssyncadd.s32 $0xFFFF9C00  }
0x13: {  	[tilespmem:s0], [sflag:$0x1] =	stream.indirect.gather [hbm4b:s3+s8], $0x40, s2, s8, $0xb8;
	[tilespmem:$0x14C00] =	vst v63  }
0x14: {  	s11 =	simm.s32 $0x8400  }
0x15: {  	[tilespmem:s11], [sflag:$0x1] =	stream.indirect.gather [hbm4b:s3+s10], $0x40, s8, s10, $0xb8;
	[tilespmem:$0x14C00] =	vst v63  }
0x16: {  	s12 =	simm.s32 $0xC8  }
0x17: {  	[tilespmem:s13], [sflag:$0x2] =	stream.indirect.gather [hbm4b:s3+s8], $0x40, s12, s8, $0xb8;
	[tilespmem:$0x14C00] =	vst v63  }
0x18: {  	_ = 	snop  }
0x19: {  	[tilespmem:s15], [sflag:$0x2] =	stream.indirect.gather [hbm4b:s3+s10], $0x40, s14, s10, $0xb8;
	[tilespmem:$0x14C00] =	vst v63  }
0x1a: {  	_ = 	snop  }
0x1b: {  	[tilespmem:s17], [sflag:$0x3] =	stream.indirect.gather [hbm4b:s3+s8], $0x40, s16, s8, $0xb8;
	[tilespmem:$0x14C00] =	vst v63  }
0x1c: {  	_ = 	snop  }
0x1d: {  	[tilespmem:s19], [sflag:$0x3] =	stream.indirect.gather [hbm4b:s3+s10], $0x40, s18, s10, $0xb8;
	[tilespmem:$0x14C00] =	vst v63  }
0x1e: {  	_ = 	snop  }
0x1f: {  	[tilespmem:s21], [sflag:$0x4] =	stream.indirect.gather [hbm4b:s3+s8], $0x40, s20, s8, $0xb8;
	[tilespmem:$0x14C00] =	vst v63  }
0x20: {  	s31 =	simm.s32 $0x0  }
0x21: {  	[tilespmem:s23], [sflag:$0x4] =	stream.indirect.gather [hbm4b:s3+s10], $0x40, s22, s10, $0xb8;
	[tilespmem:$0x14C00] =	vst v63  }
.LBB2_2:
0x22: {  	_ =	swait.ge [sflag:s24], $0x2000  }
0x23: {  	p0 =	seq.s32 s31, $0x1F;
	[sflag:s24] =	ssyncset.done $0x0  }
0x24: {  	s0 =	smul.u32 @!p0 $0xC80, s31;
	[sflag:s24] =	ssyncadd.s32 $0xFFFFE000  }
0x25: {  	s12 =	simm.s32 $0x6500;
	_ =	swait.ge [sflag:s24], $0x1200  }
0x26: {  	s9 =	simm.s32 @!p0 $0x80;
	s0 =	sshra.s32 @!p0 s0, $0x2;
	[sflag:s24] =	ssyncset.done $0x0  }
0x27: {  	s11 =	simm.s32 @!p0 $0x6400;
	s1 =	sadd.s32 @!p0 $0x320, s0;
	[sflag:s24] =	ssyncadd.s32 $0xFFFFEE00  }
0x28: {  	[tilespmem:s11], [sflag:$0x1] =	stream.indirect.gather @!p0 [hbm4b:s3+s9], $0x40, s1, s9, $0xb8;
	[tilespmem:$0x14C00] =	vst v63  }
0x29: {  	s1 =	sadd.s32 @!p0 $0x3A0, s0;
	s9 =	simm.s32 @!p0 $0x48;
	s11 =	simm.s32 @!p0 $0x8400  }
0x2a: {  	[tilespmem:s11], [sflag:$0x1] =	stream.indirect.gather @!p0 [hbm4b:s3+s9], $0x40, s1, s9, $0xb8;
	[tilespmem:$0x14C00] =	vst v63  }
0x2b: {  	v0 =	vld [tilespmem:s12+$0xC0]  }
0x2c: {  	v1 =	vld [tilespmem:s12+$0xD0]  }
0x2d: {  	v2 =	vld [tilespmem:s12+$0x80]  }
0x2e: {  	v3 =	vld [tilespmem:s12+$0x90]  }
0x2f: {  	v9 =	vld [tilespmem:s12+$0x40]  }
0x30: {  	v12 =	vld [tilespmem:s12+$0x50]  }
0x31: {  	v6 =	vld [tilespmem:s12+$0x0]  }
0x32: {  	v8 =	vld [tilespmem:s12+$0x10]  }
0x33: {  	v5 =	vld [tilespmem:s12+$0xFFFFFFC0]  }
0x34: {  	v7 =	vld [tilespmem:s12+$0xFFFFFFD0]  }
0x35: {  	v4 =	vld [tilespmem:s12+$0xFFFFFF80]  }
0x36: {  	v10 =	vld [tilespmem:s12+$0xFFFFFF90]  }
0x37: {  	v11 =	vld [tilespmem:s12+$0xFFFFFF40]  }
0x38: {  	v13 =	vld [tilespmem:s12+$0xFFFFFF50]  }
0x39: {  	v14 =	vld [tilespmem:s12+$0xFFFFFF00]  }
0x3a: {  	v15 =	vld [tilespmem:s12+$0xFFFFFF10]  }
0x3b: {  	v16 =	vld [tilespmem:s12+$0xFFFFFF20]  }
0x3c: {  	v17 =	vld [tilespmem:s12+$0xFFFFFF30]  }
0x3d: {  	v18 =	vld [tilespmem:s12+$0xFFFFFF60]  }
0x3e: {  	v19 =	vld [tilespmem:s12+$0xFFFFFF70]  }
0x3f: {  	v20 =	vimm.f32 $0.0e+00;
	v21 =	vld [tilespmem:s12+$0xFFFFFFA0]  }
0x40: {  	v22 =	vld [tilespmem:s12+$0xFFFFFFB0];
	v14 =	vadd.f32 v14, v20;
	v15 =	vadd.f32 v15, v20  }
0x41: {  	v59 =	vld [tilespmem:s12+$0xFFFFFFE0];
	v16 =	vadd.f32 v16, v20;
	v17 =	vadd.f32 v17, v20  }
0x42: {  	v11 =	vadd.f32 v11, v14;
	v13 =	vadd.f32 v13, v15;
	v14 =	vld [tilespmem:s12+$0xFFFFFFF0]  }
0x43: {  	v61 =	vld [tilespmem:s12+$0x20];
	v15 =	vadd.f32 v18, v16;
	v60 =	vadd.f32 v19, v17  }
0x44: {  	v11 =	vadd.f32 v4, v11;
	v10 =	vadd.f32 v10, v13;
	v13 =	vld [tilespmem:s12+$0x30]  }
0x45: {  	v15 =	vadd.f32 v21, v15;
	v16 =	vadd.f32 v22, v60;
	v4 =	vld [tilespmem:s12+$0x60]  }
0x46: {  	v11 =	vadd.f32 v5, v11;
	v10 =	vadd.f32 v7, v10;
	v7 =	vld [tilespmem:s12+$0x70]  }
0x47: {  	v15 =	vadd.f32 v59, v15;
	v5 =	vld [tilespmem:s12+$0xA0];
	v14 =	vadd.f32 v14, v16  }
0x48: {  	v62 =	vadd.f32 v6, v11;
	v63 =	vadd.f32 v8, v10;
	v8 =	vld [tilespmem:s12+$0xB0]  }
0x49: {  	v11 =	vadd.f32 v61, v15;
	v6 =	vld [tilespmem:s12+$0xE0];
	v10 =	vadd.f32 v13, v14  }
0x4a: {  	s1 =	simm.s32 $0x0;
	s9 =	simm.s32 $0x6700;
	v13 =	vadd.f32 v9, v62;
	v12 =	vadd.f32 v12, v63;
	v9 =	vld [tilespmem:s12+$0xF0]  }
.LBB2_3:
0x4b: {  	v14 =	vld [tilespmem:s9+$0xC0];
	v4 =	vadd.f32 v4, v11;
	v7 =	vadd.f32 v7, v10  }
0x4c: {  	v10 =	vld [tilespmem:s9+$0xD0];
	v11 =	vadd.f32 v2, v13;
	v12 =	vadd.f32 v3, v12  }
0x4d: {  	v2 =	vld [tilespmem:s9+$0x80];
	v4 =	vadd.f32 v5, v4;
	v5 =	vadd.f32 v8, v7  }
0x4e: {  	v3 =	vld [tilespmem:s9+$0x90];
	v7 =	vadd.f32 v0, v11;
	v8 =	vadd.f32 v1, v12  }
0x4f: {  	v12 =	vld [tilespmem:s9+$0x40];
	v4 =	vadd.f32 v6, v4;
	v5 =	vadd.f32 v9, v5  }
0x50: {  	v9 =	vld [tilespmem:s9+$0x50];
	v0 =	vmov v14  }
0x51: {  	v6 =	vld [tilespmem:s9+$0x0];
	v1 =	vmov v10  }
0x52: {  	v10 =	vld [tilespmem:s9+$0x10]  }
0x53: {  	v11 =	vld [tilespmem:s9+$0xFFFFFFC0]  }
0x54: {  	v13 =	vld [tilespmem:s9+$0xFFFFFFD0]  }
0x55: {  	v14 =	vld [tilespmem:s9+$0xFFFFFF80]  }
0x56: {  	v15 =	vld [tilespmem:s9+$0xFFFFFF90]  }
0x57: {  	v16 =	vld [tilespmem:s9+$0xFFFFFF40]  }
0x58: {  	v17 =	vld [tilespmem:s9+$0xFFFFFF50]  }
0x59: {  	v18 =	vld [tilespmem:s9+$0xFFFFFF00]  }
0x5a: {  	v19 =	vld [tilespmem:s9+$0xFFFFFF10]  }
0x5b: {  	v20 =	vld [tilespmem:s9+$0xFFFFFF20]  }
0x5c: {  	s1 =	sadd.s32 $0x8, s1;
	v21 =	vld [tilespmem:s9+$0xFFFFFF30]  }
0x5d: {  	p1 =	slt.u32 s1, $0xC0;
	v22 =	vld [tilespmem:s9+$0xFFFFFF60]  }
0x5e: {  	v23 =	vld [tilespmem:s9+$0xFFFFFF70]  }
0x5f: {  	v24 =	vld [tilespmem:s9+$0xFFFFFFA0]  }
0x60: {  	v7 =	vadd.f32 v18, v7;
	v8 =	vadd.f32 v19, v8;
	v18 =	vld [tilespmem:s9+$0xFFFFFFB0]  }
0x61: {  	v4 =	vadd.f32 v20, v4;
	v5 =	vadd.f32 v21, v5;
	v19 =	vld [tilespmem:s9+$0xFFFFFFE0]  }
0x62: {  	v7 =	vadd.f32 v16, v7;
	v8 =	vadd.f32 v17, v8;
	v16 =	vld [tilespmem:s9+$0xFFFFFFF0]  }
0x63: {  	v4 =	vadd.f32 v22, v4;
	v5 =	vadd.f32 v23, v5;
	v17 =	vld [tilespmem:s9+$0x20]  }
0x64: {  	v7 =	vadd.f32 v14, v7;
	v8 =	vadd.f32 v15, v8;
	v14 =	vld [tilespmem:s9+$0x30]  }
0x65: {  	v15 =	vadd.f32 v24, v4;
	v5 =	vadd.f32 v18, v5;
	v4 =	vld [tilespmem:s9+$0x60]  }
.Ltmp0:
0x66: {  	v11 =	vadd.f32 v11, v7;
	v8 =	vadd.f32 v13, v8;
	v7 =	vld [tilespmem:s9+$0x70];
	(pc) =	sbr.rel @p1 .LBB2_3-.Ltmp0, $4  }
0x67: {  	v13 =	vadd.f32 v19, v15;
	v15 =	vadd.f32 v16, v5;
	v5 =	vld [tilespmem:s9+$0xA0]  }
0x68: {  	v16 =	vadd.f32 v6, v11;
	v18 =	vadd.f32 v10, v8;
	v8 =	vld [tilespmem:s9+$0xB0]  }
0x69: {  	v11 =	vadd.f32 v17, v13;
	v10 =	vadd.f32 v14, v15;
	v6 =	vld [tilespmem:s9+$0xE0]  }
0x6a: {  	v13 =	vadd.f32 v12, v16;
	v12 =	vadd.f32 v9, v18;
	v9 =	vld [tilespmem:s9+$0xF0];
	s9 =	sadd.s32 $0x200, s9  }
0x6b: {  	_ = 	snop  }
0x6c: {  	v4 =	vadd.f32 v4, v11;
	v2 =	vadd.f32 v2, v13  }
0x6d: {  	v7 =	vadd.f32 v7, v10;
	v3 =	vadd.f32 v3, v12  }
0x6e: {  	s1 =	sshll.u32 s31, $0x8;
	v4 =	vadd.f32 v5, v4;
	v0 =	vadd.f32 v0, v2  }
0x6f: {  	s1 =	sand.u32 $0x3FFFFF00, s1;
	v2 =	vadd.f32 v8, v7;
	v1 =	vadd.f32 v1, v3  }
0x70: {  	v3 =	vadd.f32 v6, v4;
	[tilespmem:s1+$0x12C00] =	vst v0  }
0x71: {  	v0 =	vadd.f32 v9, v2;
	[tilespmem:s1+$0x12C10] =	vst v1  }
0x72: {  	[tilespmem:s1+$0x12C20] =	vst v3  }
0x73: {  	[tilespmem:s1+$0x12C30] =	vst v0  }
0x74: {  	_ =	swait.ge [sflag:s25], $0x2000  }
0x75: {  	[sflag:s25] =	ssyncset.done $0x0  }
0x76: {  	[sflag:s25] =	ssyncadd.s32 $0xFFFFE000  }
0x77: {  	_ =	swait.ge [sflag:s25], $0x1200  }
0x78: {  	s9 =	sadd.s32 @!p0 $0x3E8, s0;
	[sflag:s25] =	ssyncset.done $0x0  }
0x79: {  	s11 =	simm.s32 @!p0 $0x80;
	s12 =	simm.s32 @!p0 $0x9600;
	[sflag:s25] =	ssyncadd.s32 $0xFFFFEE00  }
0x7a: {  	[tilespmem:s12], [sflag:$0x2] =	stream.indirect.gather @!p0 [hbm4b:s3+s11], $0x40, s9, s11, $0xb8;
	[tilespmem:$0x14C00] =	vst v63  }
0x7b: {  	s9 =	sadd.s32 @!p0 $0x468, s0;
	s11 =	simm.s32 @!p0 $0x48;
	s12 =	simm.s32 @!p0 $0xB600  }
0x7c: {  	[tilespmem:s12], [sflag:$0x2] =	stream.indirect.gather @!p0 [hbm4b:s3+s11], $0x40, s9, s11, $0xb8;
	[tilespmem:$0x14C00] =	vst v63  }
0x7d: {  	s12 =	simm.s32 $0x9700  }
0x7e: {  	v0 =	vld [tilespmem:s12+$0xC0]  }
0x7f: {  	v1 =	vld [tilespmem:s12+$0xD0]  }
0x80: {  	v2 =	vld [tilespmem:s12+$0x80]  }
0x81: {  	v3 =	vld [tilespmem:s12+$0x90]  }
0x82: {  	v9 =	vld [tilespmem:s12+$0x40]  }
0x83: {  	v12 =	vld [tilespmem:s12+$0x50]  }
0x84: {  	v7 =	vld [tilespmem:s12+$0x0]  }
0x85: {  	v8 =	vld [tilespmem:s12+$0x10]  }
0x86: {  	v5 =	vld [tilespmem:s12+$0xFFFFFFC0]  }
0x87: {  	v6 =	vld [tilespmem:s12+$0xFFFFFFD0]  }
0x88: {  	v4 =	vld [tilespmem:s12+$0xFFFFFF80]  }
0x89: {  	v10 =	vld [tilespmem:s12+$0xFFFFFF90]  }
0x8a: {  	v11 =	vld [tilespmem:s12+$0xFFFFFF40]  }
0x8b: {  	v13 =	vld [tilespmem:s12+$0xFFFFFF50]  }
0x8c: {  	v14 =	vld [tilespmem:s12+$0xFFFFFF00]  }
0x8d: {  	v15 =	vld [tilespmem:s12+$0xFFFFFF10]  }
0x8e: {  	v16 =	vld [tilespmem:s12+$0xFFFFFF20]  }
0x8f: {  	v17 =	vld [tilespmem:s12+$0xFFFFFF30]  }
0x90: {  	v18 =	vld [tilespmem:s12+$0xFFFFFF60]  }
0x91: {  	v19 =	vld [tilespmem:s12+$0xFFFFFF70]  }
0x92: {  	v20 =	vimm.f32 $0.0e+00;
	v21 =	vld [tilespmem:s12+$0xFFFFFFA0]  }
0x93: {  	v22 =	vld [tilespmem:s12+$0xFFFFFFB0];
	v14 =	vadd.f32 v14, v20;
	v15 =	vadd.f32 v15, v20  }
0x94: {  	v59 =	vld [tilespmem:s12+$0xFFFFFFE0];
	v16 =	vadd.f32 v16, v20;
	v17 =	vadd.f32 v17, v20  }
0x95: {  	v11 =	vadd.f32 v11, v14;
	v13 =	vadd.f32 v13, v15;
	v14 =	vld [tilespmem:s12+$0xFFFFFFF0]  }
0x96: {  	v61 =	vld [tilespmem:s12+$0x20];
	v15 =	vadd.f32 v18, v16;
	v60 =	vadd.f32 v19, v17  }
0x97: {  	v11 =	vadd.f32 v4, v11;
	v10 =	vadd.f32 v10, v13;
	v13 =	vld [tilespmem:s12+$0x30]  }
0x98: {  	v15 =	vadd.f32 v21, v15;
	v16 =	vadd.f32 v22, v60;
	v4 =	vld [tilespmem:s12+$0x60]  }
0x99: {  	v11 =	vadd.f32 v5, v11;
	v10 =	vadd.f32 v6, v10;
	v6 =	vld [tilespmem:s12+$0x70]  }
0x9a: {  	v15 =	vadd.f32 v59, v15;
	v5 =	vld [tilespmem:s12+$0xA0];
	v14 =	vadd.f32 v14, v16  }
0x9b: {  	v62 =	vadd.f32 v7, v11;
	v63 =	vadd.f32 v8, v10;
	v8 =	vld [tilespmem:s12+$0xB0]  }
0x9c: {  	v11 =	vadd.f32 v61, v15;
	v7 =	vld [tilespmem:s12+$0xE0];
	v10 =	vadd.f32 v13, v14  }
0x9d: {  	s9 =	simm.s32 $0x0;
	s11 =	simm.s32 $0x9900;
	v13 =	vadd.f32 v9, v62;
	v12 =	vadd.f32 v12, v63;
	v9 =	vld [tilespmem:s12+$0xF0]  }
.LBB2_5:
0x9e: {  	v14 =	vld [tilespmem:s11+$0xC0];
	v4 =	vadd.f32 v4, v11;
	v6 =	vadd.f32 v6, v10  }
0x9f: {  	v10 =	vld [tilespmem:s11+$0xD0];
	v11 =	vadd.f32 v2, v13;
	v12 =	vadd.f32 v3, v12  }
0xa0: {  	v2 =	vld [tilespmem:s11+$0x80];
	v4 =	vadd.f32 v5, v4;
	v5 =	vadd.f32 v8, v6  }
0xa1: {  	v3 =	vld [tilespmem:s11+$0x90];
	v6 =	vadd.f32 v0, v11;
	v8 =	vadd.f32 v1, v12  }
0xa2: {  	v12 =	vld [tilespmem:s11+$0x40];
	v4 =	vadd.f32 v7, v4;
	v5 =	vadd.f32 v9, v5  }
0xa3: {  	v9 =	vld [tilespmem:s11+$0x50];
	v0 =	vmov v14  }
0xa4: {  	v7 =	vld [tilespmem:s11+$0x0];
	v1 =	vmov v10  }
0xa5: {  	v10 =	vld [tilespmem:s11+$0x10]  }
0xa6: {  	v11 =	vld [tilespmem:s11+$0xFFFFFFC0]  }
0xa7: {  	v13 =	vld [tilespmem:s11+$0xFFFFFFD0]  }
0xa8: {  	v14 =	vld [tilespmem:s11+$0xFFFFFF80]  }
0xa9: {  	v15 =	vld [tilespmem:s11+$0xFFFFFF90]  }
0xaa: {  	v16 =	vld [tilespmem:s11+$0xFFFFFF40]  }
0xab: {  	v17 =	vld [tilespmem:s11+$0xFFFFFF50]  }
0xac: {  	v18 =	vld [tilespmem:s11+$0xFFFFFF00]  }
0xad: {  	v19 =	vld [tilespmem:s11+$0xFFFFFF10]  }
0xae: {  	v20 =	vld [tilespmem:s11+$0xFFFFFF20]  }
0xaf: {  	s9 =	sadd.s32 $0x8, s9;
	v21 =	vld [tilespmem:s11+$0xFFFFFF30]  }
0xb0: {  	p1 =	slt.u32 s9, $0xC0;
	v22 =	vld [tilespmem:s11+$0xFFFFFF60]  }
0xb1: {  	v23 =	vld [tilespmem:s11+$0xFFFFFF70]  }
0xb2: {  	v24 =	vld [tilespmem:s11+$0xFFFFFFA0]  }
0xb3: {  	v6 =	vadd.f32 v18, v6;
	v8 =	vadd.f32 v19, v8;
	v18 =	vld [tilespmem:s11+$0xFFFFFFB0]  }
0xb4: {  	v4 =	vadd.f32 v20, v4;
	v5 =	vadd.f32 v21, v5;
	v19 =	vld [tilespmem:s11+$0xFFFFFFE0]  }
0xb5: {  	v6 =	vadd.f32 v16, v6;
	v8 =	vadd.f32 v17, v8;
	v16 =	vld [tilespmem:s11+$0xFFFFFFF0]  }
0xb6: {  	v4 =	vadd.f32 v22, v4;
	v5 =	vadd.f32 v23, v5;
	v17 =	vld [tilespmem:s11+$0x20]  }
0xb7: {  	v6 =	vadd.f32 v14, v6;
	v8 =	vadd.f32 v15, v8;
	v14 =	vld [tilespmem:s11+$0x30]  }
0xb8: {  	v15 =	vadd.f32 v24, v4;
	v5 =	vadd.f32 v18, v5;
	v4 =	vld [tilespmem:s11+$0x60]  }
.Ltmp1:
0xb9: {  	v11 =	vadd.f32 v11, v6;
	v8 =	vadd.f32 v13, v8;
	v6 =	vld [tilespmem:s11+$0x70];
	(pc) =	sbr.rel @p1 .LBB2_5-.Ltmp1, $4  }
0xba: {  	v13 =	vadd.f32 v19, v15;
	v15 =	vadd.f32 v16, v5;
	v5 =	vld [tilespmem:s11+$0xA0]  }
0xbb: {  	v16 =	vadd.f32 v7, v11;
	v18 =	vadd.f32 v10, v8;
	v8 =	vld [tilespmem:s11+$0xB0]  }
0xbc: {  	v11 =	vadd.f32 v17, v13;
	v10 =	vadd.f32 v14, v15;
	v7 =	vld [tilespmem:s11+$0xE0]  }
0xbd: {  	v13 =	vadd.f32 v12, v16;
	v12 =	vadd.f32 v9, v18;
	v9 =	vld [tilespmem:s11+$0xF0];
	s11 =	sadd.s32 $0x200, s11  }
0xbe: {  	_ = 	snop  }
0xbf: {  	v4 =	vadd.f32 v4, v11;
	v2 =	vadd.f32 v2, v13  }
0xc0: {  	v6 =	vadd.f32 v6, v10;
	v3 =	vadd.f32 v3, v12  }
0xc1: {  	v4 =	vadd.f32 v5, v4;
	v0 =	vadd.f32 v0, v2  }
0xc2: {  	v2 =	vadd.f32 v8, v6;
	v1 =	vadd.f32 v1, v3  }
0xc3: {  	v3 =	vadd.f32 v7, v4;
	[tilespmem:s1+$0x12C40] =	vst v0  }
0xc4: {  	v0 =	vadd.f32 v9, v2;
	[tilespmem:s1+$0x12C50] =	vst v1  }
0xc5: {  	[tilespmem:s1+$0x12C60] =	vst v3  }
0xc6: {  	[tilespmem:s1+$0x12C70] =	vst v0  }
0xc7: {  	_ =	swait.ge [sflag:s26], $0x2000  }
0xc8: {  	[sflag:s26] =	ssyncset.done $0x0  }
0xc9: {  	[sflag:s26] =	ssyncadd.s32 $0xFFFFE000  }
0xca: {  	_ =	swait.ge [sflag:s26], $0x1200  }
0xcb: {  	s9 =	sadd.s32 @!p0 $0x4B0, s0;
	[sflag:s26] =	ssyncset.done $0x0  }
0xcc: {  	s11 =	simm.s32 @!p0 $0x80;
	s12 =	simm.s32 @!p0 $0xC800;
	[sflag:s26] =	ssyncadd.s32 $0xFFFFEE00  }
0xcd: {  	[tilespmem:s12], [sflag:$0x3] =	stream.indirect.gather @!p0 [hbm4b:s3+s11], $0x40, s9, s11, $0xb8;
	[tilespmem:$0x14C00] =	vst v63  }
0xce: {  	s9 =	sadd.s32 @!p0 $0x530, s0;
	s11 =	simm.s32 @!p0 $0x48;
	s12 =	simm.s32 @!p0 $0xE800  }
0xcf: {  	[tilespmem:s12], [sflag:$0x3] =	stream.indirect.gather @!p0 [hbm4b:s3+s11], $0x40, s9, s11, $0xb8;
	[tilespmem:$0x14C00] =	vst v63  }
0xd0: {  	s12 =	simm.s32 $0xC900  }
0xd1: {  	v0 =	vld [tilespmem:s12+$0xC0]  }
0xd2: {  	v1 =	vld [tilespmem:s12+$0xD0]  }
0xd3: {  	v2 =	vld [tilespmem:s12+$0x80]  }
0xd4: {  	v3 =	vld [tilespmem:s12+$0x90]  }
0xd5: {  	v9 =	vld [tilespmem:s12+$0x40]  }
0xd6: {  	v12 =	vld [tilespmem:s12+$0x50]  }
0xd7: {  	v7 =	vld [tilespmem:s12+$0x0]  }
0xd8: {  	v8 =	vld [tilespmem:s12+$0x10]  }
0xd9: {  	v5 =	vld [tilespmem:s12+$0xFFFFFFC0]  }
0xda: {  	v6 =	vld [tilespmem:s12+$0xFFFFFFD0]  }
0xdb: {  	v4 =	vld [tilespmem:s12+$0xFFFFFF80]  }
0xdc: {  	v10 =	vld [tilespmem:s12+$0xFFFFFF90]  }
0xdd: {  	v11 =	vld [tilespmem:s12+$0xFFFFFF40]  }
0xde: {  	v13 =	vld [tilespmem:s12+$0xFFFFFF50]  }
0xdf: {  	v14 =	vld [tilespmem:s12+$0xFFFFFF00]  }
0xe0: {  	v15 =	vld [tilespmem:s12+$0xFFFFFF10]  }
0xe1: {  	v16 =	vld [tilespmem:s12+$0xFFFFFF20]  }
0xe2: {  	v17 =	vld [tilespmem:s12+$0xFFFFFF30]  }
0xe3: {  	v18 =	vld [tilespmem:s12+$0xFFFFFF60]  }
0xe4: {  	v19 =	vld [tilespmem:s12+$0xFFFFFF70]  }
0xe5: {  	v20 =	vimm.f32 $0.0e+00;
	v21 =	vld [tilespmem:s12+$0xFFFFFFA0]  }
0xe6: {  	v22 =	vld [tilespmem:s12+$0xFFFFFFB0];
	v14 =	vadd.f32 v14, v20;
	v15 =	vadd.f32 v15, v20  }
0xe7: {  	v59 =	vld [tilespmem:s12+$0xFFFFFFE0];
	v16 =	vadd.f32 v16, v20;
	v17 =	vadd.f32 v17, v20  }
0xe8: {  	v11 =	vadd.f32 v11, v14;
	v13 =	vadd.f32 v13, v15;
	v14 =	vld [tilespmem:s12+$0xFFFFFFF0]  }
0xe9: {  	v61 =	vld [tilespmem:s12+$0x20];
	v15 =	vadd.f32 v18, v16;
	v60 =	vadd.f32 v19, v17  }
0xea: {  	v11 =	vadd.f32 v4, v11;
	v10 =	vadd.f32 v10, v13;
	v13 =	vld [tilespmem:s12+$0x30]  }
0xeb: {  	v15 =	vadd.f32 v21, v15;
	v16 =	vadd.f32 v22, v60;
	v4 =	vld [tilespmem:s12+$0x60]  }
0xec: {  	v11 =	vadd.f32 v5, v11;
	v10 =	vadd.f32 v6, v10;
	v6 =	vld [tilespmem:s12+$0x70]  }
0xed: {  	v15 =	vadd.f32 v59, v15;
	v5 =	vld [tilespmem:s12+$0xA0];
	v14 =	vadd.f32 v14, v16  }
0xee: {  	v62 =	vadd.f32 v7, v11;
	v63 =	vadd.f32 v8, v10;
	v8 =	vld [tilespmem:s12+$0xB0]  }
0xef: {  	v11 =	vadd.f32 v61, v15;
	v7 =	vld [tilespmem:s12+$0xE0];
	v10 =	vadd.f32 v13, v14  }
0xf0: {  	s9 =	simm.s32 $0x0;
	s11 =	simm.s32 $0xCB00;
	v13 =	vadd.f32 v9, v62;
	v12 =	vadd.f32 v12, v63;
	v9 =	vld [tilespmem:s12+$0xF0]  }
.LBB2_7:
0xf1: {  	v14 =	vld [tilespmem:s11+$0xC0];
	v4 =	vadd.f32 v4, v11;
	v6 =	vadd.f32 v6, v10  }
0xf2: {  	v10 =	vld [tilespmem:s11+$0xD0];
	v11 =	vadd.f32 v2, v13;
	v12 =	vadd.f32 v3, v12  }
0xf3: {  	v2 =	vld [tilespmem:s11+$0x80];
	v4 =	vadd.f32 v5, v4;
	v5 =	vadd.f32 v8, v6  }
0xf4: {  	v3 =	vld [tilespmem:s11+$0x90];
	v6 =	vadd.f32 v0, v11;
	v8 =	vadd.f32 v1, v12  }
0xf5: {  	v12 =	vld [tilespmem:s11+$0x40];
	v4 =	vadd.f32 v7, v4;
	v5 =	vadd.f32 v9, v5  }
0xf6: {  	v9 =	vld [tilespmem:s11+$0x50];
	v0 =	vmov v14  }
0xf7: {  	v7 =	vld [tilespmem:s11+$0x0];
	v1 =	vmov v10  }
0xf8: {  	v10 =	vld [tilespmem:s11+$0x10]  }
0xf9: {  	v11 =	vld [tilespmem:s11+$0xFFFFFFC0]  }
0xfa: {  	v13 =	vld [tilespmem:s11+$0xFFFFFFD0]  }
0xfb: {  	v14 =	vld [tilespmem:s11+$0xFFFFFF80]  }
0xfc: {  	v15 =	vld [tilespmem:s11+$0xFFFFFF90]  }
0xfd: {  	v16 =	vld [tilespmem:s11+$0xFFFFFF40]  }
0xfe: {  	v17 =	vld [tilespmem:s11+$0xFFFFFF50]  }
0xff: {  	v18 =	vld [tilespmem:s11+$0xFFFFFF00]  }
0x100: {  	v19 =	vld [tilespmem:s11+$0xFFFFFF10]  }
0x101: {  	v20 =	vld [tilespmem:s11+$0xFFFFFF20]  }
0x102: {  	s9 =	sadd.s32 $0x8, s9;
	v21 =	vld [tilespmem:s11+$0xFFFFFF30]  }
0x103: {  	p1 =	slt.u32 s9, $0xC0;
	v22 =	vld [tilespmem:s11+$0xFFFFFF60]  }
0x104: {  	v23 =	vld [tilespmem:s11+$0xFFFFFF70]  }
0x105: {  	v24 =	vld [tilespmem:s11+$0xFFFFFFA0]  }
0x106: {  	v6 =	vadd.f32 v18, v6;
	v8 =	vadd.f32 v19, v8;
	v18 =	vld [tilespmem:s11+$0xFFFFFFB0]  }
0x107: {  	v4 =	vadd.f32 v20, v4;
	v5 =	vadd.f32 v21, v5;
	v19 =	vld [tilespmem:s11+$0xFFFFFFE0]  }
0x108: {  	v6 =	vadd.f32 v16, v6;
	v8 =	vadd.f32 v17, v8;
	v16 =	vld [tilespmem:s11+$0xFFFFFFF0]  }
0x109: {  	v4 =	vadd.f32 v22, v4;
	v5 =	vadd.f32 v23, v5;
	v17 =	vld [tilespmem:s11+$0x20]  }
0x10a: {  	v6 =	vadd.f32 v14, v6;
	v8 =	vadd.f32 v15, v8;
	v14 =	vld [tilespmem:s11+$0x30]  }
0x10b: {  	v15 =	vadd.f32 v24, v4;
	v5 =	vadd.f32 v18, v5;
	v4 =	vld [tilespmem:s11+$0x60]  }
.Ltmp2:
0x10c: {  	v11 =	vadd.f32 v11, v6;
	v8 =	vadd.f32 v13, v8;
	v6 =	vld [tilespmem:s11+$0x70];
	(pc) =	sbr.rel @p1 .LBB2_7-.Ltmp2, $4  }
0x10d: {  	v13 =	vadd.f32 v19, v15;
	v15 =	vadd.f32 v16, v5;
	v5 =	vld [tilespmem:s11+$0xA0]  }
0x10e: {  	v16 =	vadd.f32 v7, v11;
	v18 =	vadd.f32 v10, v8;
	v8 =	vld [tilespmem:s11+$0xB0]  }
0x10f: {  	v11 =	vadd.f32 v17, v13;
	v10 =	vadd.f32 v14, v15;
	v7 =	vld [tilespmem:s11+$0xE0]  }
0x110: {  	v13 =	vadd.f32 v12, v16;
	v12 =	vadd.f32 v9, v18;
	v9 =	vld [tilespmem:s11+$0xF0];
	s11 =	sadd.s32 $0x200, s11  }
0x111: {  	_ = 	snop  }
0x112: {  	v4 =	vadd.f32 v4, v11;
	v2 =	vadd.f32 v2, v13  }
0x113: {  	v6 =	vadd.f32 v6, v10;
	v3 =	vadd.f32 v3, v12  }
0x114: {  	v4 =	vadd.f32 v5, v4;
	v0 =	vadd.f32 v0, v2  }
0x115: {  	v2 =	vadd.f32 v8, v6;
	v1 =	vadd.f32 v1, v3  }
0x116: {  	v3 =	vadd.f32 v7, v4;
	[tilespmem:s1+$0x12C80] =	vst v0  }
0x117: {  	v0 =	vadd.f32 v9, v2;
	[tilespmem:s1+$0x12C90] =	vst v1  }
0x118: {  	[tilespmem:s1+$0x12CA0] =	vst v3  }
0x119: {  	[tilespmem:s1+$0x12CB0] =	vst v0  }
0x11a: {  	_ =	swait.ge [sflag:s28], $0x2000  }
0x11b: {  	[sflag:s28] =	ssyncset.done $0x0  }
0x11c: {  	[sflag:s28] =	ssyncadd.s32 $0xFFFFE000  }
0x11d: {  	_ =	swait.ge [sflag:s28], $0x1200  }
0x11e: {  	s9 =	sadd.s32 @!p0 $0x578, s0;
	s11 =	simm.s32 @!p0 $0x80;
	[sflag:s28] =	ssyncset.done $0x0  }
0x11f: {  	s12 =	simm.s32 @!p0 $0xFA00;
	s0 =	sadd.s32 @!p0 $0x5F8, s0;
	[sflag:s28] =	ssyncadd.s32 $0xFFFFEE00  }
0x120: {  	[tilespmem:s12], [sflag:$0x4] =	stream.indirect.gather @!p0 [hbm4b:s3+s11], $0x40, s9, s11, $0xb8;
	[tilespmem:$0x14C00] =	vst v63  }
0x121: {  	s9 =	simm.s32 @!p0 $0x48;
	s11 =	simm.s32 @!p0 $0x11A00;
	s12 =	simm.s32 $0xFB00  }
0x122: {  	[tilespmem:s11], [sflag:$0x4] =	stream.indirect.gather @!p0 [hbm4b:s3+s9], $0x40, s0, s9, $0xb8;
	[tilespmem:$0x14C00] =	vst v63  }
0x123: {  	v0 =	vld [tilespmem:s12+$0xC0]  }
0x124: {  	v1 =	vld [tilespmem:s12+$0xD0]  }
0x125: {  	v2 =	vld [tilespmem:s12+$0x80]  }
0x126: {  	v3 =	vld [tilespmem:s12+$0x90]  }
0x127: {  	v9 =	vld [tilespmem:s12+$0x40]  }
0x128: {  	v12 =	vld [tilespmem:s12+$0x50]  }
0x129: {  	v7 =	vld [tilespmem:s12+$0x0]  }
0x12a: {  	v8 =	vld [tilespmem:s12+$0x10]  }
0x12b: {  	v5 =	vld [tilespmem:s12+$0xFFFFFFC0]  }
0x12c: {  	v6 =	vld [tilespmem:s12+$0xFFFFFFD0]  }
0x12d: {  	v4 =	vld [tilespmem:s12+$0xFFFFFF80]  }
0x12e: {  	v10 =	vld [tilespmem:s12+$0xFFFFFF90]  }
0x12f: {  	v11 =	vld [tilespmem:s12+$0xFFFFFF40]  }
0x130: {  	v13 =	vld [tilespmem:s12+$0xFFFFFF50]  }
0x131: {  	v14 =	vld [tilespmem:s12+$0xFFFFFF00]  }
0x132: {  	v15 =	vld [tilespmem:s12+$0xFFFFFF10]  }
0x133: {  	v16 =	vld [tilespmem:s12+$0xFFFFFF20]  }
0x134: {  	v17 =	vld [tilespmem:s12+$0xFFFFFF30]  }
0x135: {  	v18 =	vld [tilespmem:s12+$0xFFFFFF60]  }
0x136: {  	v19 =	vld [tilespmem:s12+$0xFFFFFF70]  }
0x137: {  	v20 =	vimm.f32 $0.0e+00;
	v21 =	vld [tilespmem:s12+$0xFFFFFFA0]  }
0x138: {  	v22 =	vld [tilespmem:s12+$0xFFFFFFB0];
	v14 =	vadd.f32 v14, v20;
	v15 =	vadd.f32 v15, v20  }
0x139: {  	v59 =	vld [tilespmem:s12+$0xFFFFFFE0];
	v16 =	vadd.f32 v16, v20;
	v17 =	vadd.f32 v17, v20  }
0x13a: {  	v11 =	vadd.f32 v11, v14;
	v13 =	vadd.f32 v13, v15;
	v14 =	vld [tilespmem:s12+$0xFFFFFFF0]  }
0x13b: {  	v61 =	vld [tilespmem:s12+$0x20];
	v15 =	vadd.f32 v18, v16;
	v60 =	vadd.f32 v19, v17  }
0x13c: {  	v11 =	vadd.f32 v4, v11;
	v10 =	vadd.f32 v10, v13;
	v13 =	vld [tilespmem:s12+$0x30]  }
0x13d: {  	v15 =	vadd.f32 v21, v15;
	v16 =	vadd.f32 v22, v60;
	v4 =	vld [tilespmem:s12+$0x60]  }
0x13e: {  	v11 =	vadd.f32 v5, v11;
	v10 =	vadd.f32 v6, v10;
	v6 =	vld [tilespmem:s12+$0x70]  }
0x13f: {  	v15 =	vadd.f32 v59, v15;
	v5 =	vld [tilespmem:s12+$0xA0];
	v14 =	vadd.f32 v14, v16  }
0x140: {  	v62 =	vadd.f32 v7, v11;
	v63 =	vadd.f32 v8, v10;
	v8 =	vld [tilespmem:s12+$0xB0]  }
0x141: {  	v11 =	vadd.f32 v61, v15;
	v7 =	vld [tilespmem:s12+$0xE0];
	v10 =	vadd.f32 v13, v14  }
0x142: {  	s0 =	simm.s32 $0x0;
	s9 =	simm.s32 $0xFD00;
	v13 =	vadd.f32 v9, v62;
	v12 =	vadd.f32 v12, v63;
	v9 =	vld [tilespmem:s12+$0xF0]  }
.LBB2_9:
0x143: {  	v14 =	vld [tilespmem:s9+$0xC0];
	v4 =	vadd.f32 v4, v11;
	v6 =	vadd.f32 v6, v10  }
0x144: {  	v10 =	vld [tilespmem:s9+$0xD0];
	v11 =	vadd.f32 v2, v13;
	v12 =	vadd.f32 v3, v12  }
0x145: {  	v2 =	vld [tilespmem:s9+$0x80];
	v4 =	vadd.f32 v5, v4;
	v5 =	vadd.f32 v8, v6  }
0x146: {  	v3 =	vld [tilespmem:s9+$0x90];
	v6 =	vadd.f32 v0, v11;
	v8 =	vadd.f32 v1, v12  }
0x147: {  	v12 =	vld [tilespmem:s9+$0x40];
	v4 =	vadd.f32 v7, v4;
	v5 =	vadd.f32 v9, v5  }
0x148: {  	v9 =	vld [tilespmem:s9+$0x50];
	v0 =	vmov v14  }
0x149: {  	v7 =	vld [tilespmem:s9+$0x0];
	v1 =	vmov v10  }
0x14a: {  	v10 =	vld [tilespmem:s9+$0x10]  }
0x14b: {  	v11 =	vld [tilespmem:s9+$0xFFFFFFC0]  }
0x14c: {  	v13 =	vld [tilespmem:s9+$0xFFFFFFD0]  }
0x14d: {  	v14 =	vld [tilespmem:s9+$0xFFFFFF80]  }
0x14e: {  	v15 =	vld [tilespmem:s9+$0xFFFFFF90]  }
0x14f: {  	v16 =	vld [tilespmem:s9+$0xFFFFFF40]  }
0x150: {  	v17 =	vld [tilespmem:s9+$0xFFFFFF50]  }
0x151: {  	v18 =	vld [tilespmem:s9+$0xFFFFFF00]  }
0x152: {  	v19 =	vld [tilespmem:s9+$0xFFFFFF10]  }
0x153: {  	v20 =	vld [tilespmem:s9+$0xFFFFFF20]  }
0x154: {  	s0 =	sadd.s32 $0x8, s0;
	v21 =	vld [tilespmem:s9+$0xFFFFFF30]  }
0x155: {  	p0 =	slt.u32 s0, $0xC0;
	v22 =	vld [tilespmem:s9+$0xFFFFFF60]  }
0x156: {  	v23 =	vld [tilespmem:s9+$0xFFFFFF70]  }
0x157: {  	v24 =	vld [tilespmem:s9+$0xFFFFFFA0]  }
0x158: {  	v6 =	vadd.f32 v18, v6;
	v8 =	vadd.f32 v19, v8;
	v18 =	vld [tilespmem:s9+$0xFFFFFFB0]  }
0x159: {  	v4 =	vadd.f32 v20, v4;
	v5 =	vadd.f32 v21, v5;
	v19 =	vld [tilespmem:s9+$0xFFFFFFE0]  }
0x15a: {  	v6 =	vadd.f32 v16, v6;
	v8 =	vadd.f32 v17, v8;
	v16 =	vld [tilespmem:s9+$0xFFFFFFF0]  }
0x15b: {  	v4 =	vadd.f32 v22, v4;
	v5 =	vadd.f32 v23, v5;
	v17 =	vld [tilespmem:s9+$0x20]  }
0x15c: {  	v6 =	vadd.f32 v14, v6;
	v8 =	vadd.f32 v15, v8;
	v14 =	vld [tilespmem:s9+$0x30]  }
0x15d: {  	v15 =	vadd.f32 v24, v4;
	v5 =	vadd.f32 v18, v5;
	v4 =	vld [tilespmem:s9+$0x60]  }
.Ltmp3:
0x15e: {  	v11 =	vadd.f32 v11, v6;
	v8 =	vadd.f32 v13, v8;
	v6 =	vld [tilespmem:s9+$0x70];
	(pc) =	sbr.rel @p0 .LBB2_9-.Ltmp3, $4  }
0x15f: {  	v13 =	vadd.f32 v19, v15;
	v15 =	vadd.f32 v16, v5;
	v5 =	vld [tilespmem:s9+$0xA0]  }
0x160: {  	v16 =	vadd.f32 v7, v11;
	v18 =	vadd.f32 v10, v8;
	v8 =	vld [tilespmem:s9+$0xB0]  }
0x161: {  	v11 =	vadd.f32 v17, v13;
	v10 =	vadd.f32 v14, v15;
	v7 =	vld [tilespmem:s9+$0xE0]  }
0x162: {  	v13 =	vadd.f32 v12, v16;
	v12 =	vadd.f32 v9, v18;
	v9 =	vld [tilespmem:s9+$0xF0];
	s9 =	sadd.s32 $0x200, s9  }
0x163: {  	_ = 	snop  }
0x164: {  	v4 =	vadd.f32 v4, v11;
	v2 =	vadd.f32 v2, v13  }
0x165: {  	v6 =	vadd.f32 v6, v10;
	s31 =	sadd.s32 $0x1, s31;
	v3 =	vadd.f32 v3, v12  }
0x166: {  	p0 =	sne.s32 s31, $0x20;
	v4 =	vadd.f32 v5, v4;
	v0 =	vadd.f32 v0, v2  }
.Ltmp4:
0x167: {  	v61 =	vadd.f32 v8, v6;
	v1 =	vadd.f32 v1, v3;
	(pc) =	sbr.rel @p0 .LBB2_2-.Ltmp4, $4  }
0x168: {  	v62 =	vadd.f32 v7, v4;
	[tilespmem:s1+$0x12CC0] =	vst v0  }
0x169: {  	v63 =	vadd.f32 v9, v61;
	[tilespmem:s1+$0x12CD0] =	vst v1  }
0x16a: {  	[tilespmem:s1+$0x12CE0] =	vst v62  }
0x16b: {  	[tilespmem:s1+$0x12CF0] =	vst v63  }
0x16c: {  	s30 =	sadd.s32 $0x1, s30  }
0x16d: {  	p0 =	sne.s32 s30, s6  }
.Ltmp5:
0x16e: {  	_ = 	snop;
	(pc) =	sbr.rel @p0 .LBB2_1-.Ltmp5, $4  }
0x16f: {  	[hbm4b:s5+s2] =	stream.linear.scatter [tilespmem:s29], [sflag:$0x5], $0x2000, $0x38;
	[tilespmem:$0x14C00] =	vst v63  }
0x170: {  	_ =	swait.ge [sflag:s7], $0x2000  }
0x171: {  	[sflag:s7] =	ssyncset.done $0x0  }
0x172: {  	[sflag:s7] =	ssyncadd.s32 $0xFFFFE000  }
0x173: {  	_ =	sfence.sel $0x180000  }
0x174: {  	[bflag:$0x0] =	sbarrier.arrive $0xFFFF  }
0x175: {  	_ =	strace $0x90000047  }
0x176: {  	s0 =	stileid.u32;
	[bflag:$0x2] =	sbarrier.arrive $0xFFFF  }
0x177: {  	p0 =	sne.s32 s0, $0x0;
	s0 =	rddreg [dreg:$0x2]  }
0x178: {  	s0 =	sadd.s32 @!p0 $0x100000, s0  }
0x179: {  	[sflag:s0] =	ssyncadd.tile.s32 @!p0 $0x1;
	_ =	shalt  }
.Lfunc_end2:
_tile_overlayer_lowered:
.L_overlay_start_2:
0x17a: {  	(tag) =	ssettag $0x2  }
0x17b: {  	s0 =	rddreg [dreg:$0x0];
	s2 =	stileid.u32  }
0x17c: {  	s1 =	rddreg [dreg:$0x1];
	p0 =	sne.s32 s2, $0x0  }
0x17d: {  	s3 =	rddreg [dreg:$0x2];
	[bflag:$0x3] =	sbarrier.arrive $0xFFFF;
	s2 =	simm.s32 @!p0 $0x1C05  }
0x17e: {  	[timem:s3], [sflag:s2] =	dma.local @!p0 [hbm:s0], s1  }
0x17f: {  	s0 =	simm.s32 @!p0 $0x5  }
0x180: {  	_ =	swait.ge @!p0 [sflag:s0], s1  }
0x181: {  	s1 =	ssub.s32 @!p0 $0x0, s1;
	[sflag:s0] =	ssyncset.done @!p0 $0x0  }
0x182: {  	[sflag:s0] =	ssyncadd.s32 @!p0 s1  }
0x183: {  	[bflag:$0x3] =	sbarrier.arrive $0xFFFF  }
0x184: {  	_ =	shalt  }

</sc_bundles>
